<compile_context>
chip_gen: v7x
topology: tpu7x:2x2x1
jax: 0.10.2.dev20260603
libtpu: 0.0.44.dev20260713+nightly
codegen_flags: <defaults>
</compile_context>

<pallas_src>
import functools

import jax
import jax.numpy as jnp
from jax import lax
from jax.experimental import pallas as pl
from jax.experimental.pallas import tpu as pltpu
from jax.experimental.pallas import tpu_sc as plsc

VOCAB_SIZE = 7
EMBED_DIM = 128
BATCH = 4096
SEQ = 201

N = BATCH * SEQ
NUM_WORKERS = 32
PER_W = N // NUM_WORKERS
CHUNK = 384
CHUNKS = PER_W // CHUNK
GROUPS = CHUNK // 16
KBLKS = EMBED_DIM // 16


def _sc_lookup(idx_flat, table_flat):
    mesh = plsc.VectorSubcoreMesh(core_axis_name="c", subcore_axis_name="s")

    @functools.partial(
        pl.kernel,
        mesh=mesh,
        out_type=jax.ShapeDtypeStruct((N * EMBED_DIM,), jnp.float32),
        compiler_params=pltpu.CompilerParams(needs_layout_passes=False),
        scratch_types=[
            pltpu.VMEM((VOCAB_SIZE * EMBED_DIM,), jnp.float32),
            pltpu.VMEM((PER_W,), jnp.int32),
            pltpu.VMEM((CHUNK * EMBED_DIM,), jnp.float32),
            pltpu.VMEM((CHUNK * EMBED_DIM,), jnp.float32),
            pltpu.SemaphoreType.DMA,
            pltpu.SemaphoreType.DMA,
        ],
    )
    def k(idx_hbm, table_hbm, out_hbm, table_v, idx_v, rows0, rows1,
          sem0, sem1):
        wid = lax.axis_index("s") * 2 + lax.axis_index("c")
        base = wid * PER_W
        sems = (sem0, sem1)
        rows = (rows0, rows1)

        pltpu.sync_copy(table_hbm, table_v)
        pltpu.sync_copy(idx_hbm.at[pl.ds(base, PER_W)], idx_v)

        lane = lax.iota(jnp.int32, 16)

        lane128 = lane * EMBED_DIM

        def compute_chunk(j, b):
            def group_body(g, carry):
                idx16 = idx_v[pl.ds(j * CHUNK + g * 16, 16)]
                src_base = idx16 * EMBED_DIM
                dst_base = lane128 + g * (16 * EMBED_DIM)

                @plsc.parallel_loop(0, 16, unroll=4)
                def rot_body(r):
                    off = (lane + r) & 15
                    s0 = src_base + off
                    d0 = dst_base + off
                    for kk in range(KBLKS):
                        vals = plsc.load_gather(table_v, [s0 + kk * 16])
                        plsc.store_scatter(rows[b], [d0 + kk * 16], vals)

                return carry

            lax.fori_loop(0, GROUPS, group_body, 0)

        def fire(j, b):
            compute_chunk(j, b)
            pltpu.async_copy(
                rows[b],
                out_hbm.at[pl.ds((base + j * CHUNK) * EMBED_DIM,
                                 CHUNK * EMBED_DIM)],
                sems[b],
            )

        def drain(b):
            pltpu.make_async_copy(
                rows[b],
                out_hbm.at[pl.ds(base * EMBED_DIM, CHUNK * EMBED_DIM)],
                sems[b],
            ).wait()

        fire(0, 0)

        def outer(i, carry):
            for b, joff in ((1, 1), (0, 2)):
                j = 2 * i + joff

                @pl.when(j >= 2)
                def _drain():
                    drain(b)

                fire(j, b)
            return carry

        lax.fori_loop(0, CHUNKS // 2, outer, 0)
        for b in (0, 1):
            drain(b)

    return k(idx_flat, table_flat)


def kernel(padded_sequences, table):
    idx_flat = padded_sequences.reshape(N).astype(jnp.int32)
    out = _sc_lookup(idx_flat, table.astype(jnp.float32).reshape(-1))
    return out.reshape(BATCH, SEQ, EMBED_DIM)

# --- scband reference (transcript-rebuilt; emitter-appended) ---
"""Pipeline reference for scband-lookup-embedding-layer-52776558133363 (READ-ONLY COPY).

The authoritative reference and input builder live on the scoring server;
editing this copy changes nothing except your own understanding.
"""

import jax, jax.numpy as jnp
import numpy as np

VOCAB_SIZE = 7
EMBED_DIM = 128
PAD_IDX = 5
BATCH = 4096
SEQ = 201

def setup_inputs(seed: int = 0) -> dict:
    key = jax.random.key(seed)
    k1, k2 = jax.random.split(key)
    padded_sequences = jax.random.randint(k1, (BATCH, SEQ), 0, VOCAB_SIZE)
    table = jax.random.normal(k2, (VOCAB_SIZE, EMBED_DIM), dtype=jnp.float32)
    # nn.Embedding with padding_idx initializes the padding row to zeros
    table = table.at[PAD_IDX].set(0.0)
    return {"padded_sequences": padded_sequences, "table": table}

def reference(padded_sequences, table):
    # nn.Embedding forward: gather rows of the embedding table
    embeddings = jnp.take(table, padded_sequences, axis=0)
    return embeddings

if __name__ == "__main__":
    import jax
    _d = setup_inputs()
    print(jax.jit(kernel)(*tuple(_d.values())))

</pallas_src>

<mosaic_0001>
#map = affine_map<(d0, d1) -> (0)>
module attributes {stable_mosaic.version = 14 : i64} {
  func.func @k(%arg0: i32, %arg1: i32, %arg2: memref<823296xi32, #tpu.memory_space<hbm>>, %arg3: memref<896xf32, #tpu.memory_space<hbm>>, %arg4: memref<105381888xf32, #tpu.memory_space<hbm>>, %arg5: memref<896xf32, #tpu.memory_space<vmem>>, %arg6: memref<25728xi32, #tpu.memory_space<vmem>>, %arg7: memref<49152xf32, #tpu.memory_space<vmem>>, %arg8: memref<49152xf32, #tpu.memory_space<vmem>>, %arg9: memref<!tpu.dma_semaphore, #tpu.memory_space<semaphore_mem>>, %arg10: memref<!tpu.dma_semaphore, #tpu.memory_space<semaphore_mem>>) attributes {dimension_semantics = [#tpu.dimension_semantics<core_parallel>, #tpu.dimension_semantics<subcore_parallel>], iteration_bounds = array<i64: 2, 16>, scalar_prefetch = 0 : i64, scratch_operands = 6 : i64, tpu.core_type = #tpu.core_type<sc_vector_subcore>, window_params = [{transform_indices = #map}, {transform_indices = #map}, {transform_indices = #map}]} {
    %mul3A = arith.constant 2 : i32
    %mul3A_0 = arith.muli %arg1, %mul3A : i32
    %add3A = arith.addi %mul3A_0, %arg0 : i32
    %mul3A_1 = arith.constant 25728 : i32
    %mul3A_2 = arith.muli %add3A, %mul3A_1 : i32
    "tpu.region"() ({
      %run_scoped3A = tpu.sem_alloc : memref<!tpu.dma_semaphore, #tpu.memory_space<semaphore_mem>>
      tpu.enqueue_dma source(%arg3 : memref<896xf32, #tpu.memory_space<hbm>>) target(%arg5 : memref<896xf32, #tpu.memory_space<vmem>>) target_semaphore(%run_scoped3A : memref<!tpu.dma_semaphore, #tpu.memory_space<semaphore_mem>>)
      tpu.wait_dma2 semaphore(%run_scoped3A : memref<!tpu.dma_semaphore, #tpu.memory_space<semaphore_mem>>) src(%arg3 : memref<896xf32, #tpu.memory_space<hbm>>) dst(%arg5 : memref<896xf32, #tpu.memory_space<vmem>>)
      tpu.yield
    }) : () -> ()
    "tpu.region"() ({
      %run_scoped3A = tpu.sem_alloc : memref<!tpu.dma_semaphore, #tpu.memory_space<semaphore_mem>>
      %dma_start3A_29 = tpu.memref_slice %arg2[%mul3A_2] : memref<823296xi32, #tpu.memory_space<hbm>> -> memref<25728xi32, #tpu.memory_space<hbm>>
      %dma_start3A_30 = tpu.memref_slice %arg2[%mul3A_2] : memref<823296xi32, #tpu.memory_space<hbm>> -> memref<25728xi32, #tpu.memory_space<hbm>>
      tpu.enqueue_dma source(%dma_start3A_30 : memref<25728xi32, #tpu.memory_space<hbm>>) target(%arg6 : memref<25728xi32, #tpu.memory_space<vmem>>) target_semaphore(%run_scoped3A : memref<!tpu.dma_semaphore, #tpu.memory_space<semaphore_mem>>)
      %dma_wait3A_31 = tpu.memref_slice %arg2[%mul3A_2] : memref<823296xi32, #tpu.memory_space<hbm>> -> memref<25728xi32, #tpu.memory_space<hbm>>
      %dma_wait3A_32 = tpu.memref_slice %arg2[%mul3A_2] : memref<823296xi32, #tpu.memory_space<hbm>> -> memref<25728xi32, #tpu.memory_space<hbm>>
      tpu.wait_dma2 semaphore(%run_scoped3A : memref<!tpu.dma_semaphore, #tpu.memory_space<semaphore_mem>>) src(%dma_wait3A_32 : memref<25728xi32, #tpu.memory_space<hbm>>) dst(%arg6 : memref<25728xi32, #tpu.memory_space<vmem>>)
      tpu.yield
    }) : () -> ()
    %iota3A = tpu.iota {dimensions = array<i32: 0>} : vector<16xi32>
    %mul3A_3 = arith.constant 128 : i32
    %mul3A_4 = vector.broadcast %mul3A_3 : i32 to vector<16xi32>
    %mul3A_5 = arith.muli %iota3A, %mul3A_4 : vector<16xi32>
    %scan3A = arith.constant 0 : i32
    %scan3A_6 = arith.constant 0 : i32
    %scan3A_7 = arith.constant 24 : i32
    %scan3A_8 = arith.addi %scan3A_6, %scan3A_7 : i32
    %scan3A_9 = arith.constant 1 : i32
    scf.for %scan3A_29 = %scan3A_6 to %scan3A_8 step %scan3A_9  : i32 {
      %mul3A_30 = arith.constant 16 : i32
      %mul3A_31 = arith.muli %scan3A_29, %mul3A_30 : i32
      %add3A_32 = arith.constant 0 : i32
      %add3A_33 = arith.addi %add3A_32, %mul3A_31 : i32
      %get3A = arith.index_cast %add3A_33 : i32 to index
      %get3A_34 = tpu.vector_load %arg6[%get3A] {strides = array<i32>} : memref<25728xi32, #tpu.memory_space<vmem>>, vector<16xi32>,
      %mul3A_35 = arith.constant 128 : i32
      %mul3A_36 = vector.broadcast %mul3A_35 : i32 to vector<16xi32>
      %mul3A_37 = arith.muli %get3A_34, %mul3A_36 : vector<16xi32>
      %mul3A_38 = arith.constant 2048 : i32
      %mul3A_39 = arith.muli %scan3A_29, %mul3A_38 : i32
      %add3A_40 = vector.broadcast %mul3A_39 : i32 to vector<16xi32>
      %add3A_41 = arith.addi %mul3A_5, %add3A_40 : vector<16xi32>
      %parallel_loop3A = arith.constant 0 : i32
      %parallel_loop3A_42 = arith.constant 16 : i32
      %parallel_loop3A_43 = arith.constant 1 : i32
      scf.for %parallel_loop3A_44 = %parallel_loop3A to %parallel_loop3A_42 step %parallel_loop3A_43  : i32 {
        %parallel_loop3A_45 = vector.broadcast %parallel_loop3A_44 : i32 to vector<16xi32>
        %parallel_loop3A_46 = arith.addi %iota3A, %parallel_loop3A_45 : vector<16xi32>
        %parallel_loop3A_47 = arith.constant 15 : i32
        %parallel_loop3A_48 = vector.broadcast %parallel_loop3A_47 : i32 to vector<16xi32>
        %parallel_loop3A_49 = arith.andi %parallel_loop3A_46, %parallel_loop3A_48 : vector<16xi32>
        %parallel_loop3A_50 = arith.addi %mul3A_37, %parallel_loop3A_49 : vector<16xi32>
        %parallel_loop3A_51 = arith.addi %add3A_41, %parallel_loop3A_49 : vector<16xi32>
        %parallel_loop3A_52 = arith.constant 0 : i32
        %parallel_loop3A_53 = vector.broadcast %parallel_loop3A_52 : i32 to vector<16xi32>
        %parallel_loop3A_54 = arith.addi %parallel_loop3A_50, %parallel_loop3A_53 : vector<16xi32>
        %parallel_loop3A_55 = tpu.vector_load_idx %arg5[%parallel_loop3A_54] : memref<896xf32, #tpu.memory_space<vmem>>[vector<16xi32>], vector<16xf32>,
        %parallel_loop3A_56 = arith.constant 0 : i32
        %parallel_loop3A_57 = vector.broadcast %parallel_loop3A_56 : i32 to vector<16xi32>
        %parallel_loop3A_58 = arith.addi %parallel_loop3A_51, %parallel_loop3A_57 : vector<16xi32>
        tpu.vector_store_idx %arg7[%parallel_loop3A_58], %parallel_loop3A_55 : memref<49152xf32, #tpu.memory_space<vmem>>[vector<16xi32>], vector<16xf32>,
        %parallel_loop3A_59 = arith.constant 16 : i32
        %parallel_loop3A_60 = vector.broadcast %parallel_loop3A_59 : i32 to vector<16xi32>
        %parallel_loop3A_61 = arith.addi %parallel_loop3A_50, %parallel_loop3A_60 : vector<16xi32>
        %parallel_loop3A_62 = tpu.vector_load_idx %arg5[%parallel_loop3A_61] : memref<896xf32, #tpu.memory_space<vmem>>[vector<16xi32>], vector<16xf32>,
        %parallel_loop3A_63 = arith.constant 16 : i32
        %parallel_loop3A_64 = vector.broadcast %parallel_loop3A_63 : i32 to vector<16xi32>
        %parallel_loop3A_65 = arith.addi %parallel_loop3A_51, %parallel_loop3A_64 : vector<16xi32>
        tpu.vector_store_idx %arg7[%parallel_loop3A_65], %parallel_loop3A_62 : memref<49152xf32, #tpu.memory_space<vmem>>[vector<16xi32>], vector<16xf32>,
        %parallel_loop3A_66 = arith.constant 32 : i32
        %parallel_loop3A_67 = vector.broadcast %parallel_loop3A_66 : i32 to vector<16xi32>
        %parallel_loop3A_68 = arith.addi %parallel_loop3A_50, %parallel_loop3A_67 : vector<16xi32>
        %parallel_loop3A_69 = tpu.vector_load_idx %arg5[%parallel_loop3A_68] : memref<896xf32, #tpu.memory_space<vmem>>[vector<16xi32>], vector<16xf32>,
        %parallel_loop3A_70 = arith.constant 32 : i32
        %parallel_loop3A_71 = vector.broadcast %parallel_loop3A_70 : i32 to vector<16xi32>
        %parallel_loop3A_72 = arith.addi %parallel_loop3A_51, %parallel_loop3A_71 : vector<16xi32>
        tpu.vector_store_idx %arg7[%parallel_loop3A_72], %parallel_loop3A_69 : memref<49152xf32, #tpu.memory_space<vmem>>[vector<16xi32>], vector<16xf32>,
        %parallel_loop3A_73 = arith.constant 48 : i32
        %parallel_loop3A_74 = vector.broadcast %parallel_loop3A_73 : i32 to vector<16xi32>
        %parallel_loop3A_75 = arith.addi %parallel_loop3A_50, %parallel_loop3A_74 : vector<16xi32>
        %parallel_loop3A_76 = tpu.vector_load_idx %arg5[%parallel_loop3A_75] : memref<896xf32, #tpu.memory_space<vmem>>[vector<16xi32>], vector<16xf32>,
        %parallel_loop3A_77 = arith.constant 48 : i32
        %parallel_loop3A_78 = vector.broadcast %parallel_loop3A_77 : i32 to vector<16xi32>
        %parallel_loop3A_79 = arith.addi %parallel_loop3A_51, %parallel_loop3A_78 : vector<16xi32>
        tpu.vector_store_idx %arg7[%parallel_loop3A_79], %parallel_loop3A_76 : memref<49152xf32, #tpu.memory_space<vmem>>[vector<16xi32>], vector<16xf32>,
        %parallel_loop3A_80 = arith.constant 64 : i32
        %parallel_loop3A_81 = vector.broadcast %parallel_loop3A_80 : i32 to vector<16xi32>
        %parallel_loop3A_82 = arith.addi %parallel_loop3A_50, %parallel_loop3A_81 : vector<16xi32>
        %parallel_loop3A_83 = tpu.vector_load_idx %arg5[%parallel_loop3A_82] : memref<896xf32, #tpu.memory_space<vmem>>[vector<16xi32>], vector<16xf32>,
        %parallel_loop3A_84 = arith.constant 64 : i32
        %parallel_loop3A_85 = vector.broadcast %parallel_loop3A_84 : i32 to vector<16xi32>
        %parallel_loop3A_86 = arith.addi %parallel_loop3A_51, %parallel_loop3A_85 : vector<16xi32>
        tpu.vector_store_idx %arg7[%parallel_loop3A_86], %parallel_loop3A_83 : memref<49152xf32, #tpu.memory_space<vmem>>[vector<16xi32>], vector<16xf32>,
        %parallel_loop3A_87 = arith.constant 80 : i32
        %parallel_loop3A_88 = vector.broadcast %parallel_loop3A_87 : i32 to vector<16xi32>
        %parallel_loop3A_89 = arith.addi %parallel_loop3A_50, %parallel_loop3A_88 : vector<16xi32>
        %parallel_loop3A_90 = tpu.vector_load_idx %arg5[%parallel_loop3A_89] : memref<896xf32, #tpu.memory_space<vmem>>[vector<16xi32>], vector<16xf32>,
        %parallel_loop3A_91 = arith.constant 80 : i32
        %parallel_loop3A_92 = vector.broadcast %parallel_loop3A_91 : i32 to vector<16xi32>
        %parallel_loop3A_93 = arith.addi %parallel_loop3A_51, %parallel_loop3A_92 : vector<16xi32>
        tpu.vector_store_idx %arg7[%parallel_loop3A_93], %parallel_loop3A_90 : memref<49152xf32, #tpu.memory_space<vmem>>[vector<16xi32>], vector<16xf32>,
        %parallel_loop3A_94 = arith.constant 96 : i32
        %parallel_loop3A_95 = vector.broadcast %parallel_loop3A_94 : i32 to vector<16xi32>
        %parallel_loop3A_96 = arith.addi %parallel_loop3A_50, %parallel_loop3A_95 : vector<16xi32>
        %parallel_loop3A_97 = tpu.vector_load_idx %arg5[%parallel_loop3A_96] : memref<896xf32, #tpu.memory_space<vmem>>[vector<16xi32>], vector<16xf32>,
        %parallel_loop3A_98 = arith.constant 96 : i32
        %parallel_loop3A_99 = vector.broadcast %parallel_loop3A_98 : i32 to vector<16xi32>
        %parallel_loop3A_100 = arith.addi %parallel_loop3A_51, %parallel_loop3A_99 : vector<16xi32>
        tpu.vector_store_idx %arg7[%parallel_loop3A_100], %parallel_loop3A_97 : memref<49152xf32, #tpu.memory_space<vmem>>[vector<16xi32>], vector<16xf32>,
        %parallel_loop3A_101 = arith.constant 112 : i32
        %parallel_loop3A_102 = vector.broadcast %parallel_loop3A_101 : i32 to vector<16xi32>
        %parallel_loop3A_103 = arith.addi %parallel_loop3A_50, %parallel_loop3A_102 : vector<16xi32>
        %parallel_loop3A_104 = tpu.vector_load_idx %arg5[%parallel_loop3A_103] : memref<896xf32, #tpu.memory_space<vmem>>[vector<16xi32>], vector<16xf32>,
        %parallel_loop3A_105 = arith.constant 112 : i32
        %parallel_loop3A_106 = vector.broadcast %parallel_loop3A_105 : i32 to vector<16xi32>
        %parallel_loop3A_107 = arith.addi %parallel_loop3A_51, %parallel_loop3A_106 : vector<16xi32>
        tpu.vector_store_idx %arg7[%parallel_loop3A_107], %parallel_loop3A_104 : memref<49152xf32, #tpu.memory_space<vmem>>[vector<16xi32>], vector<16xf32>,
      } {sc.loop_unroll_factor = 4 : i64, sc.parallel_access}
    }
    %scan3A_10 = arith.constant 24 : i32
    %add3A_11 = arith.constant 0 : i32
    %add3A_12 = arith.addi %mul3A_2, %add3A_11 : i32
    %mul3A_13 = arith.constant 128 : i32
    %mul3A_14 = arith.muli %add3A_12, %mul3A_13 : i32
    %dma_start3A = tpu.memref_slice %arg4[%mul3A_14] : memref<105381888xf32, #tpu.memory_space<hbm>> -> memref<49152xf32, #tpu.memory_space<hbm>>
    %dma_start3A_15 = tpu.memref_slice %arg4[%mul3A_14] : memref<105381888xf32, #tpu.memory_space<hbm>> -> memref<49152xf32, #tpu.memory_space<hbm>>
    tpu.enqueue_dma source(%arg7 : memref<49152xf32, #tpu.memory_space<vmem>>) target(%dma_start3A_15 : memref<49152xf32, #tpu.memory_space<hbm>>) target_semaphore(%arg9 : memref<!tpu.dma_semaphore, #tpu.memory_space<semaphore_mem>>)
    %scan3A_16 = arith.constant 0 : i32
    %scan3A_17 = arith.constant 0 : i32
    %scan3A_18 = arith.constant 33 : i32
    %scan3A_19 = arith.addi %scan3A_17, %scan3A_18 : i32
    %scan3A_20 = arith.constant 1 : i32
    scf.for %scan3A_29 = %scan3A_17 to %scan3A_19 step %scan3A_20  : i32 {
      %mul3A_30 = arith.constant 2 : i32
      %mul3A_31 = arith.muli %mul3A_30, %scan3A_29 : i32
      %add3A_32 = arith.constant 1 : i32
      %add3A_33 = arith.addi %mul3A_31, %add3A_32 : i32
      %ge3A = arith.constant 2 : i32
      %ge3A_34 = arith.cmpi sge, %add3A_33, %ge3A : i32
      %convert_element_type3A = arith.extui %ge3A_34 : i1 to i32
      %cond3A = arith.constant 0 : i32
      %cond3A_35 = arith.cmpi ne, %convert_element_type3A, %cond3A : i32
      scf.if %cond3A_35 {
        %mul3A_71 = arith.constant 128 : i32
        %mul3A_72 = arith.muli %mul3A_2, %mul3A_71 : i32
        %dma_wait3A_73 = tpu.memref_slice %arg4[%mul3A_72] : memref<105381888xf32, #tpu.memory_space<hbm>> -> memref<49152xf32, #tpu.memory_space<hbm>>
        %dma_wait3A_74 = tpu.memref_slice %arg4[%mul3A_72] : memref<105381888xf32, #tpu.memory_space<hbm>> -> memref<49152xf32, #tpu.memory_space<hbm>>
        tpu.wait_dma2 semaphore(%arg10 : memref<!tpu.dma_semaphore, #tpu.memory_space<semaphore_mem>>) src(%arg8 : memref<49152xf32, #tpu.memory_space<vmem>>) dst(%dma_wait3A_74 : memref<49152xf32, #tpu.memory_space<hbm>>)
      } else {
      }
      %scan3A_36 = arith.constant 0 : i32
      %scan3A_37 = arith.constant 0 : i32
      %scan3A_38 = arith.constant 24 : i32
      %scan3A_39 = arith.addi %scan3A_37, %scan3A_38 : i32
      %scan3A_40 = arith.constant 1 : i32
      scf.for %scan3A_71 = %scan3A_37 to %scan3A_39 step %scan3A_40  : i32 {
        %mul3A_72 = arith.constant 384 : i32
        %mul3A_73 = arith.muli %add3A_33, %mul3A_72 : i32
        %mul3A_74 = arith.constant 16 : i32
        %mul3A_75 = arith.muli %scan3A_71, %mul3A_74 : i32
        %add3A_76 = arith.addi %mul3A_73, %mul3A_75 : i32
        %get3A = arith.index_cast %add3A_76 : i32 to index
        %get3A_77 = tpu.vector_load %arg6[%get3A] {strides = array<i32>} : memref<25728xi32, #tpu.memory_space<vmem>>, vector<16xi32>,
        %mul3A_78 = arith.constant 128 : i32
        %mul3A_79 = vector.broadcast %mul3A_78 : i32 to vector<16xi32>
        %mul3A_80 = arith.muli %get3A_77, %mul3A_79 : vector<16xi32>
        %mul3A_81 = arith.constant 2048 : i32
        %mul3A_82 = arith.muli %scan3A_71, %mul3A_81 : i32
        %add3A_83 = vector.broadcast %mul3A_82 : i32 to vector<16xi32>
        %add3A_84 = arith.addi %mul3A_5, %add3A_83 : vector<16xi32>
        %parallel_loop3A = arith.constant 0 : i32
        %parallel_loop3A_85 = arith.constant 16 : i32
        %parallel_loop3A_86 = arith.constant 1 : i32
        scf.for %parallel_loop3A_87 = %parallel_loop3A to %parallel_loop3A_85 step %parallel_loop3A_86  : i32 {
          %parallel_loop3A_88 = vector.broadcast %parallel_loop3A_87 : i32 to vector<16xi32>
          %parallel_loop3A_89 = arith.addi %iota3A, %parallel_loop3A_88 : vector<16xi32>
          %parallel_loop3A_90 = arith.constant 15 : i32
          %parallel_loop3A_91 = vector.broadcast %parallel_loop3A_90 : i32 to vector<16xi32>
          %parallel_loop3A_92 = arith.andi %parallel_loop3A_89, %parallel_loop3A_91 : vector<16xi32>
          %parallel_loop3A_93 = arith.addi %mul3A_80, %parallel_loop3A_92 : vector<16xi32>
          %parallel_loop3A_94 = arith.addi %add3A_84, %parallel_loop3A_92 : vector<16xi32>
          %parallel_loop3A_95 = arith.constant 0 : i32
          %parallel_loop3A_96 = vector.broadcast %parallel_loop3A_95 : i32 to vector<16xi32>
          %parallel_loop3A_97 = arith.addi %parallel_loop3A_93, %parallel_loop3A_96 : vector<16xi32>
          %parallel_loop3A_98 = tpu.vector_load_idx %arg5[%parallel_loop3A_97] : memref<896xf32, #tpu.memory_space<vmem>>[vector<16xi32>], vector<16xf32>,
          %parallel_loop3A_99 = arith.constant 0 : i32
          %parallel_loop3A_100 = vector.broadcast %parallel_loop3A_99 : i32 to vector<16xi32>
          %parallel_loop3A_101 = arith.addi %parallel_loop3A_94, %parallel_loop3A_100 : vector<16xi32>
          tpu.vector_store_idx %arg8[%parallel_loop3A_101], %parallel_loop3A_98 : memref<49152xf32, #tpu.memory_space<vmem>>[vector<16xi32>], vector<16xf32>,
          %parallel_loop3A_102 = arith.constant 16 : i32
          %parallel_loop3A_103 = vector.broadcast %parallel_loop3A_102 : i32 to vector<16xi32>
          %parallel_loop3A_104 = arith.addi %parallel_loop3A_93, %parallel_loop3A_103 : vector<16xi32>
          %parallel_loop3A_105 = tpu.vector_load_idx %arg5[%parallel_loop3A_104] : memref<896xf32, #tpu.memory_space<vmem>>[vector<16xi32>], vector<16xf32>,
          %parallel_loop3A_106 = arith.constant 16 : i32
          %parallel_loop3A_107 = vector.broadcast %parallel_loop3A_106 : i32 to vector<16xi32>
          %parallel_loop3A_108 = arith.addi %parallel_loop3A_94, %parallel_loop3A_107 : vector<16xi32>
          tpu.vector_store_idx %arg8[%parallel_loop3A_108], %parallel_loop3A_105 : memref<49152xf32, #tpu.memory_space<vmem>>[vector<16xi32>], vector<16xf32>,
          %parallel_loop3A_109 = arith.constant 32 : i32
          %parallel_loop3A_110 = vector.broadcast %parallel_loop3A_109 : i32 to vector<16xi32>
          %parallel_loop3A_111 = arith.addi %parallel_loop3A_93, %parallel_loop3A_110 : vector<16xi32>
          %parallel_loop3A_112 = tpu.vector_load_idx %arg5[%parallel_loop3A_111] : memref<896xf32, #tpu.memory_space<vmem>>[vector<16xi32>], vector<16xf32>,
          %parallel_loop3A_113 = arith.constant 32 : i32
          %parallel_loop3A_114 = vector.broadcast %parallel_loop3A_113 : i32 to vector<16xi32>
          %parallel_loop3A_115 = arith.addi %parallel_loop3A_94, %parallel_loop3A_114 : vector<16xi32>
          tpu.vector_store_idx %arg8[%parallel_loop3A_115], %parallel_loop3A_112 : memref<49152xf32, #tpu.memory_space<vmem>>[vector<16xi32>], vector<16xf32>,
          %parallel_loop3A_116 = arith.constant 48 : i32
          %parallel_loop3A_117 = vector.broadcast %parallel_loop3A_116 : i32 to vector<16xi32>
          %parallel_loop3A_118 = arith.addi %parallel_loop3A_93, %parallel_loop3A_117 : vector<16xi32>
          %parallel_loop3A_119 = tpu.vector_load_idx %arg5[%parallel_loop3A_118] : memref<896xf32, #tpu.memory_space<vmem>>[vector<16xi32>], vector<16xf32>,
          %parallel_loop3A_120 = arith.constant 48 : i32
          %parallel_loop3A_121 = vector.broadcast %parallel_loop3A_120 : i32 to vector<16xi32>
          %parallel_loop3A_122 = arith.addi %parallel_loop3A_94, %parallel_loop3A_121 : vector<16xi32>
          tpu.vector_store_idx %arg8[%parallel_loop3A_122], %parallel_loop3A_119 : memref<49152xf32, #tpu.memory_space<vmem>>[vector<16xi32>], vector<16xf32>,
          %parallel_loop3A_123 = arith.constant 64 : i32
          %parallel_loop3A_124 = vector.broadcast %parallel_loop3A_123 : i32 to vector<16xi32>
          %parallel_loop3A_125 = arith.addi %parallel_loop3A_93, %parallel_loop3A_124 : vector<16xi32>
          %parallel_loop3A_126 = tpu.vector_load_idx %arg5[%parallel_loop3A_125] : memref<896xf32, #tpu.memory_space<vmem>>[vector<16xi32>], vector<16xf32>,
          %parallel_loop3A_127 = arith.constant 64 : i32
          %parallel_loop3A_128 = vector.broadcast %parallel_loop3A_127 : i32 to vector<16xi32>
          %parallel_loop3A_129 = arith.addi %parallel_loop3A_94, %parallel_loop3A_128 : vector<16xi32>
          tpu.vector_store_idx %arg8[%parallel_loop3A_129], %parallel_loop3A_126 : memref<49152xf32, #tpu.memory_space<vmem>>[vector<16xi32>], vector<16xf32>,
          %parallel_loop3A_130 = arith.constant 80 : i32
          %parallel_loop3A_131 = vector.broadcast %parallel_loop3A_130 : i32 to vector<16xi32>
          %parallel_loop3A_132 = arith.addi %parallel_loop3A_93, %parallel_loop3A_131 : vector<16xi32>
          %parallel_loop3A_133 = tpu.vector_load_idx %arg5[%parallel_loop3A_132] : memref<896xf32, #tpu.memory_space<vmem>>[vector<16xi32>], vector<16xf32>,
          %parallel_loop3A_134 = arith.constant 80 : i32
          %parallel_loop3A_135 = vector.broadcast %parallel_loop3A_134 : i32 to vector<16xi32>
          %parallel_loop3A_136 = arith.addi %parallel_loop3A_94, %parallel_loop3A_135 : vector<16xi32>
          tpu.vector_store_idx %arg8[%parallel_loop3A_136], %parallel_loop3A_133 : memref<49152xf32, #tpu.memory_space<vmem>>[vector<16xi32>], vector<16xf32>,
          %parallel_loop3A_137 = arith.constant 96 : i32
          %parallel_loop3A_138 = vector.broadcast %parallel_loop3A_137 : i32 to vector<16xi32>
          %parallel_loop3A_139 = arith.addi %parallel_loop3A_93, %parallel_loop3A_138 : vector<16xi32>
          %parallel_loop3A_140 = tpu.vector_load_idx %arg5[%parallel_loop3A_139] : memref<896xf32, #tpu.memory_space<vmem>>[vector<16xi32>], vector<16xf32>,
          %parallel_loop3A_141 = arith.constant 96 : i32
          %parallel_loop3A_142 = vector.broadcast %parallel_loop3A_141 : i32 to vector<16xi32>
          %parallel_loop3A_143 = arith.addi %parallel_loop3A_94, %parallel_loop3A_142 : vector<16xi32>
          tpu.vector_store_idx %arg8[%parallel_loop3A_143], %parallel_loop3A_140 : memref<49152xf32, #tpu.memory_space<vmem>>[vector<16xi32>], vector<16xf32>,
          %parallel_loop3A_144 = arith.constant 112 : i32
          %parallel_loop3A_145 = vector.broadcast %parallel_loop3A_144 : i32 to vector<16xi32>
          %parallel_loop3A_146 = arith.addi %parallel_loop3A_93, %parallel_loop3A_145 : vector<16xi32>
          %parallel_loop3A_147 = tpu.vector_load_idx %arg5[%parallel_loop3A_146] : memref<896xf32, #tpu.memory_space<vmem>>[vector<16xi32>], vector<16xf32>,
          %parallel_loop3A_148 = arith.constant 112 : i32
          %parallel_loop3A_149 = vector.broadcast %parallel_loop3A_148 : i32 to vector<16xi32>
          %parallel_loop3A_150 = arith.addi %parallel_loop3A_94, %parallel_loop3A_149 : vector<16xi32>
          tpu.vector_store_idx %arg8[%parallel_loop3A_150], %parallel_loop3A_147 : memref<49152xf32, #tpu.memory_space<vmem>>[vector<16xi32>], vector<16xf32>,
        } {sc.loop_unroll_factor = 4 : i64, sc.parallel_access}
      }
      %scan3A_41 = arith.constant 24 : i32
      %mul3A_42 = arith.constant 384 : i32
      %mul3A_43 = arith.muli %add3A_33, %mul3A_42 : i32
      %add3A_44 = arith.addi %mul3A_2, %mul3A_43 : i32
      %mul3A_45 = arith.constant 128 : i32
      %mul3A_46 = arith.muli %add3A_44, %mul3A_45 : i32
      %dma_start3A_47 = tpu.memref_slice %arg4[%mul3A_46] : memref<105381888xf32, #tpu.memory_space<hbm>> -> memref<49152xf32, #tpu.memory_space<hbm>>
      %dma_start3A_48 = tpu.memref_slice %arg4[%mul3A_46] : memref<105381888xf32, #tpu.memory_space<hbm>> -> memref<49152xf32, #tpu.memory_space<hbm>>
      tpu.enqueue_dma source(%arg8 : memref<49152xf32, #tpu.memory_space<vmem>>) target(%dma_start3A_48 : memref<49152xf32, #tpu.memory_space<hbm>>) target_semaphore(%arg10 : memref<!tpu.dma_semaphore, #tpu.memory_space<semaphore_mem>>)
      %mul3A_49 = arith.constant 2 : i32
      %mul3A_50 = arith.muli %mul3A_49, %scan3A_29 : i32
      %add3A_51 = arith.constant 2 : i32
      %add3A_52 = arith.addi %mul3A_50, %add3A_51 : i32
      %ge3A_53 = arith.constant 2 : i32
      %ge3A_54 = arith.cmpi sge, %add3A_52, %ge3A_53 : i32
      %convert_element_type3A_55 = arith.extui %ge3A_54 : i1 to i32
      %cond3A_56 = arith.constant 0 : i32
      %cond3A_57 = arith.cmpi ne, %convert_element_type3A_55, %cond3A_56 : i32
      scf.if %cond3A_57 {
        %mul3A_71 = arith.constant 128 : i32
        %mul3A_72 = arith.muli %mul3A_2, %mul3A_71 : i32
        %dma_wait3A_73 = tpu.memref_slice %arg4[%mul3A_72] : memref<105381888xf32, #tpu.memory_space<hbm>> -> memref<49152xf32, #tpu.memory_space<hbm>>
        %dma_wait3A_74 = tpu.memref_slice %arg4[%mul3A_72] : memref<105381888xf32, #tpu.memory_space<hbm>> -> memref<49152xf32, #tpu.memory_space<hbm>>
        tpu.wait_dma2 semaphore(%arg9 : memref<!tpu.dma_semaphore, #tpu.memory_space<semaphore_mem>>) src(%arg7 : memref<49152xf32, #tpu.memory_space<vmem>>) dst(%dma_wait3A_74 : memref<49152xf32, #tpu.memory_space<hbm>>)
      } else {
      }
      %scan3A_58 = arith.constant 0 : i32
      %scan3A_59 = arith.constant 0 : i32
      %scan3A_60 = arith.constant 24 : i32
      %scan3A_61 = arith.addi %scan3A_59, %scan3A_60 : i32
      %scan3A_62 = arith.constant 1 : i32
      scf.for %scan3A_71 = %scan3A_59 to %scan3A_61 step %scan3A_62  : i32 {
        %mul3A_72 = arith.constant 384 : i32
        %mul3A_73 = arith.muli %add3A_52, %mul3A_72 : i32
        %mul3A_74 = arith.constant 16 : i32
        %mul3A_75 = arith.muli %scan3A_71, %mul3A_74 : i32
        %add3A_76 = arith.addi %mul3A_73, %mul3A_75 : i32
        %get3A = arith.index_cast %add3A_76 : i32 to index
        %get3A_77 = tpu.vector_load %arg6[%get3A] {strides = array<i32>} : memref<25728xi32, #tpu.memory_space<vmem>>, vector<16xi32>,
        %mul3A_78 = arith.constant 128 : i32
        %mul3A_79 = vector.broadcast %mul3A_78 : i32 to vector<16xi32>
        %mul3A_80 = arith.muli %get3A_77, %mul3A_79 : vector<16xi32>
        %mul3A_81 = arith.constant 2048 : i32
        %mul3A_82 = arith.muli %scan3A_71, %mul3A_81 : i32
        %add3A_83 = vector.broadcast %mul3A_82 : i32 to vector<16xi32>
        %add3A_84 = arith.addi %mul3A_5, %add3A_83 : vector<16xi32>
        %parallel_loop3A = arith.constant 0 : i32
        %parallel_loop3A_85 = arith.constant 16 : i32
        %parallel_loop3A_86 = arith.constant 1 : i32
        scf.for %parallel_loop3A_87 = %parallel_loop3A to %parallel_loop3A_85 step %parallel_loop3A_86  : i32 {
          %parallel_loop3A_88 = vector.broadcast %parallel_loop3A_87 : i32 to vector<16xi32>
          %parallel_loop3A_89 = arith.addi %iota3A, %parallel_loop3A_88 : vector<16xi32>
          %parallel_loop3A_90 = arith.constant 15 : i32
          %parallel_loop3A_91 = vector.broadcast %parallel_loop3A_90 : i32 to vector<16xi32>
          %parallel_loop3A_92 = arith.andi %parallel_loop3A_89, %parallel_loop3A_91 : vector<16xi32>
          %parallel_loop3A_93 = arith.addi %mul3A_80, %parallel_loop3A_92 : vector<16xi32>
          %parallel_loop3A_94 = arith.addi %add3A_84, %parallel_loop3A_92 : vector<16xi32>
          %parallel_loop3A_95 = arith.constant 0 : i32
          %parallel_loop3A_96 = vector.broadcast %parallel_loop3A_95 : i32 to vector<16xi32>
          %parallel_loop3A_97 = arith.addi %parallel_loop3A_93, %parallel_loop3A_96 : vector<16xi32>
          %parallel_loop3A_98 = tpu.vector_load_idx %arg5[%parallel_loop3A_97] : memref<896xf32, #tpu.memory_space<vmem>>[vector<16xi32>], vector<16xf32>,
          %parallel_loop3A_99 = arith.constant 0 : i32
          %parallel_loop3A_100 = vector.broadcast %parallel_loop3A_99 : i32 to vector<16xi32>
          %parallel_loop3A_101 = arith.addi %parallel_loop3A_94, %parallel_loop3A_100 : vector<16xi32>
          tpu.vector_store_idx %arg7[%parallel_loop3A_101], %parallel_loop3A_98 : memref<49152xf32, #tpu.memory_space<vmem>>[vector<16xi32>], vector<16xf32>,
          %parallel_loop3A_102 = arith.constant 16 : i32
          %parallel_loop3A_103 = vector.broadcast %parallel_loop3A_102 : i32 to vector<16xi32>
          %parallel_loop3A_104 = arith.addi %parallel_loop3A_93, %parallel_loop3A_103 : vector<16xi32>
          %parallel_loop3A_105 = tpu.vector_load_idx %arg5[%parallel_loop3A_104] : memref<896xf32, #tpu.memory_space<vmem>>[vector<16xi32>], vector<16xf32>,
          %parallel_loop3A_106 = arith.constant 16 : i32
          %parallel_loop3A_107 = vector.broadcast %parallel_loop3A_106 : i32 to vector<16xi32>
          %parallel_loop3A_108 = arith.addi %parallel_loop3A_94, %parallel_loop3A_107 : vector<16xi32>
          tpu.vector_store_idx %arg7[%parallel_loop3A_108], %parallel_loop3A_105 : memref<49152xf32, #tpu.memory_space<vmem>>[vector<16xi32>], vector<16xf32>,
          %parallel_loop3A_109 = arith.constant 32 : i32
          %parallel_loop3A_110 = vector.broadcast %parallel_loop3A_109 : i32 to vector<16xi32>
          %parallel_loop3A_111 = arith.addi %parallel_loop3A_93, %parallel_loop3A_110 : vector<16xi32>
          %parallel_loop3A_112 = tpu.vector_load_idx %arg5[%parallel_loop3A_111] : memref<896xf32, #tpu.memory_space<vmem>>[vector<16xi32>], vector<16xf32>,
          %parallel_loop3A_113 = arith.constant 32 : i32
          %parallel_loop3A_114 = vector.broadcast %parallel_loop3A_113 : i32 to vector<16xi32>
          %parallel_loop3A_115 = arith.addi %parallel_loop3A_94, %parallel_loop3A_114 : vector<16xi32>
          tpu.vector_store_idx %arg7[%parallel_loop3A_115], %parallel_loop3A_112 : memref<49152xf32, #tpu.memory_space<vmem>>[vector<16xi32>], vector<16xf32>,
          %parallel_loop3A_116 = arith.constant 48 : i32
          %parallel_loop3A_117 = vector.broadcast %parallel_loop3A_116 : i32 to vector<16xi32>
          %parallel_loop3A_118 = arith.addi %parallel_loop3A_93, %parallel_loop3A_117 : vector<16xi32>
          %parallel_loop3A_119 = tpu.vector_load_idx %arg5[%parallel_loop3A_118] : memref<896xf32, #tpu.memory_space<vmem>>[vector<16xi32>], vector<16xf32>,
          %parallel_loop3A_120 = arith.constant 48 : i32
          %parallel_loop3A_121 = vector.broadcast %parallel_loop3A_120 : i32 to vector<16xi32>
          %parallel_loop3A_122 = arith.addi %parallel_loop3A_94, %parallel_loop3A_121 : vector<16xi32>
          tpu.vector_store_idx %arg7[%parallel_loop3A_122], %parallel_loop3A_119 : memref<49152xf32, #tpu.memory_space<vmem>>[vector<16xi32>], vector<16xf32>,
          %parallel_loop3A_123 = arith.constant 64 : i32
          %parallel_loop3A_124 = vector.broadcast %parallel_loop3A_123 : i32 to vector<16xi32>
          %parallel_loop3A_125 = arith.addi %parallel_loop3A_93, %parallel_loop3A_124 : vector<16xi32>
          %parallel_loop3A_126 = tpu.vector_load_idx %arg5[%parallel_loop3A_125] : memref<896xf32, #tpu.memory_space<vmem>>[vector<16xi32>], vector<16xf32>,
          %parallel_loop3A_127 = arith.constant 64 : i32
          %parallel_loop3A_128 = vector.broadcast %parallel_loop3A_127 : i32 to vector<16xi32>
          %parallel_loop3A_129 = arith.addi %parallel_loop3A_94, %parallel_loop3A_128 : vector<16xi32>
          tpu.vector_store_idx %arg7[%parallel_loop3A_129], %parallel_loop3A_126 : memref<49152xf32, #tpu.memory_space<vmem>>[vector<16xi32>], vector<16xf32>,
          %parallel_loop3A_130 = arith.constant 80 : i32
          %parallel_loop3A_131 = vector.broadcast %parallel_loop3A_130 : i32 to vector<16xi32>
          %parallel_loop3A_132 = arith.addi %parallel_loop3A_93, %parallel_loop3A_131 : vector<16xi32>
          %parallel_loop3A_133 = tpu.vector_load_idx %arg5[%parallel_loop3A_132] : memref<896xf32, #tpu.memory_space<vmem>>[vector<16xi32>], vector<16xf32>,
          %parallel_loop3A_134 = arith.constant 80 : i32
          %parallel_loop3A_135 = vector.broadcast %parallel_loop3A_134 : i32 to vector<16xi32>
          %parallel_loop3A_136 = arith.addi %parallel_loop3A_94, %parallel_loop3A_135 : vector<16xi32>
          tpu.vector_store_idx %arg7[%parallel_loop3A_136], %parallel_loop3A_133 : memref<49152xf32, #tpu.memory_space<vmem>>[vector<16xi32>], vector<16xf32>,
          %parallel_loop3A_137 = arith.constant 96 : i32
          %parallel_loop3A_138 = vector.broadcast %parallel_loop3A_137 : i32 to vector<16xi32>
          %parallel_loop3A_139 = arith.addi %parallel_loop3A_93, %parallel_loop3A_138 : vector<16xi32>
          %parallel_loop3A_140 = tpu.vector_load_idx %arg5[%parallel_loop3A_139] : memref<896xf32, #tpu.memory_space<vmem>>[vector<16xi32>], vector<16xf32>,
          %parallel_loop3A_141 = arith.constant 96 : i32
          %parallel_loop3A_142 = vector.broadcast %parallel_loop3A_141 : i32 to vector<16xi32>
          %parallel_loop3A_143 = arith.addi %parallel_loop3A_94, %parallel_loop3A_142 : vector<16xi32>
          tpu.vector_store_idx %arg7[%parallel_loop3A_143], %parallel_loop3A_140 : memref<49152xf32, #tpu.memory_space<vmem>>[vector<16xi32>], vector<16xf32>,
          %parallel_loop3A_144 = arith.constant 112 : i32
          %parallel_loop3A_145 = vector.broadcast %parallel_loop3A_144 : i32 to vector<16xi32>
          %parallel_loop3A_146 = arith.addi %parallel_loop3A_93, %parallel_loop3A_145 : vector<16xi32>
          %parallel_loop3A_147 = tpu.vector_load_idx %arg5[%parallel_loop3A_146] : memref<896xf32, #tpu.memory_space<vmem>>[vector<16xi32>], vector<16xf32>,
          %parallel_loop3A_148 = arith.constant 112 : i32
          %parallel_loop3A_149 = vector.broadcast %parallel_loop3A_148 : i32 to vector<16xi32>
          %parallel_loop3A_150 = arith.addi %parallel_loop3A_94, %parallel_loop3A_149 : vector<16xi32>
          tpu.vector_store_idx %arg7[%parallel_loop3A_150], %parallel_loop3A_147 : memref<49152xf32, #tpu.memory_space<vmem>>[vector<16xi32>], vector<16xf32>,
        } {sc.loop_unroll_factor = 4 : i64, sc.parallel_access}
      }
      %scan3A_63 = arith.constant 24 : i32
      %mul3A_64 = arith.constant 384 : i32
      %mul3A_65 = arith.muli %add3A_52, %mul3A_64 : i32
      %add3A_66 = arith.addi %mul3A_2, %mul3A_65 : i32
      %mul3A_67 = arith.constant 128 : i32
      %mul3A_68 = arith.muli %add3A_66, %mul3A_67 : i32
      %dma_start3A_69 = tpu.memref_slice %arg4[%mul3A_68] : memref<105381888xf32, #tpu.memory_space<hbm>> -> memref<49152xf32, #tpu.memory_space<hbm>>
      %dma_start3A_70 = tpu.memref_slice %arg4[%mul3A_68] : memref<105381888xf32, #tpu.memory_space<hbm>> -> memref<49152xf32, #tpu.memory_space<hbm>>
      tpu.enqueue_dma source(%arg7 : memref<49152xf32, #tpu.memory_space<vmem>>) target(%dma_start3A_70 : memref<49152xf32, #tpu.memory_space<hbm>>) target_semaphore(%arg9 : memref<!tpu.dma_semaphore, #tpu.memory_space<semaphore_mem>>)
    }
    %scan3A_21 = arith.constant 33 : i32
    %mul3A_22 = arith.constant 128 : i32
    %mul3A_23 = arith.muli %mul3A_2, %mul3A_22 : i32
    %dma_wait3A = tpu.memref_slice %arg4[%mul3A_23] : memref<105381888xf32, #tpu.memory_space<hbm>> -> memref<49152xf32, #tpu.memory_space<hbm>>
    %dma_wait3A_24 = tpu.memref_slice %arg4[%mul3A_23] : memref<105381888xf32, #tpu.memory_space<hbm>> -> memref<49152xf32, #tpu.memory_space<hbm>>
    tpu.wait_dma2 semaphore(%arg9 : memref<!tpu.dma_semaphore, #tpu.memory_space<semaphore_mem>>) src(%arg7 : memref<49152xf32, #tpu.memory_space<vmem>>) dst(%dma_wait3A_24 : memref<49152xf32, #tpu.memory_space<hbm>>)
    %mul3A_25 = arith.constant 128 : i32
    %mul3A_26 = arith.muli %mul3A_2, %mul3A_25 : i32
    %dma_wait3A_27 = tpu.memref_slice %arg4[%mul3A_26] : memref<105381888xf32, #tpu.memory_space<hbm>> -> memref<49152xf32, #tpu.memory_space<hbm>>
    %dma_wait3A_28 = tpu.memref_slice %arg4[%mul3A_26] : memref<105381888xf32, #tpu.memory_space<hbm>> -> memref<49152xf32, #tpu.memory_space<hbm>>
    tpu.wait_dma2 semaphore(%arg10 : memref<!tpu.dma_semaphore, #tpu.memory_space<semaphore_mem>>) src(%arg8 : memref<49152xf32, #tpu.memory_space<vmem>>) dst(%dma_wait3A_28 : memref<49152xf32, #tpu.memory_space<hbm>>)
    return
  }
}

</mosaic_0001>

<sc_bundles>
// kernel: kernel.3.cloned.1.call-start
scs
__scs_entry_jumppad:
0x0: {  	(pc) =	sbr.rel $0x88, $3  }
0x1: {  	(tag) =	ssettag $0x0;
	lr =	simm.s32 $0x1  }
0x2: {  	[smem:$0x3F9F] =	sst lr;
	_ =	strace $0xD0000000  }
0x3: {  	_ = 	snop  }
0x4: {  	_ = 	snop  }
0x5: {  	_ = 	snop  }
0x6: {  	_ = 	snop  }
0x7: {  	_ = 	snop  }
__scs_overlays_trampoline_lowered:
0x8: {  	[smem:$0x3FAE] =	sst s0  }
0x9: {  	[smem:$0x3FAF] =	sst s1  }
0xa: {  	[smem:$0x3FB0] =	sst s2  }
0xb: {  	[smem:$0x3FB1] =	sst s3  }
0xc: {  	[smem:$0x3FB2] =	sst s4  }
0xd: {  	[smem:$0x3FB3] =	sst s5  }
0xe: {  	[smem:$0x3FB4] =	sst s6  }
0xf: {  	[smem:$0x3FB5] =	sst s7  }
0x10: {  	[smem:$0x3FB6] =	sst s8  }
0x11: {  	[smem:$0x3FB7] =	sst s9;
	s0 =	simm.s32 @!p0 $0x0  }
0x12: {  	s1 =	sld [smem:$0x3F9D];
	s0 =	simm.s32 @p0 $0x1  }
0x13: {  	[smem:$0x3FB8] =	sst s0;
	s0 =	simm.s32 @!p1 $0x0  }
0x14: {  	s2 =	sld [smem:$0x3F9C];
	s0 =	simm.s32 @p1 $0x1  }
0x15: {  	[smem:$0x3FB9] =	sst s0;
	s0 =	simm.s32 @!p2 $0x0  }
0x16: {  	s3 =	sld [smem:$0x3FDB];
	s0 =	simm.s32 @p2 $0x1  }
0x17: {  	s4 =	simm.s32 $0x1BF5;
	[smem:$0x3FBB] =	sst s0  }
0x18: {  	s0 =	sld [smem:$0x3F9E];
	_ =	swait.ge [sflag:s4], $0x0  }
0x19: {  	s7 =	sld [smem:$0x3F9F]  }
0x1a: {  	s8 =	sadd.s32 $0xFFFFE003, lr  }
0x1b: {  	s9 =	sadd.s32 $0xFFFFFEF7, lr;
	s5 =	simm.s32 $0xFFFFFFFF;
	p2 =	slt.u32 s8, $0xFFFFF086  }
0x1c: {  	p1 =	slt.u32 s9, $0xF7A;
	s5 =	simm.s32 @!p2 $0x0  }
0x1d: {  	s5 =	simm.s32 @p1 $0x1;
	p0 =	seq.s32 s7, s2  }
0x1e: {  	s7 =	smul.u32 @!p0 $0xF7A, s2;
	p2 =	seq.s32 @!p0 s5, $0x0  }
0x1f: {  	s9 =	smul.u32 $0xF7A, s1;
	s8 =	simm.s32 @!p0 $0x1BF5;
	p2 =	por !p2, p0  }
0x20: {  	[sflag:s8] =	ssyncset.s32 @!p0 $0xFFFFF086;
	s6 =	sadd.s32 @!p0 s3, s7;
	s7 =	simm.s32 @!p0 $0x108  }
0x21: {  	s3 =	sadd.s32 s3, s9;
	s6 =	sadd.s32 @!p0 $0x88, s6;
	s7 =	simm.s32 @p2 $0x1082  }
0x22: {  	[simem:s7], [sflag:s8] =	dma.local @!p0 [hbm:s6], $0xF7A  }
0x23: {  	s9 =	sor.u32 $0xD0000000, s2;
	s6 =	simm.s32 $0x108;
	_ =	swait.ge @!p0 [sflag:s8], $0x0  }
0x24: {  	s3 =	sadd.s32 $0x88, s3;
	s6 =	simm.s32 @!p1 $0x1082;
	[sflag:s4] =	ssyncset.s32 $0xFFFFF086  }
0x25: {  	[simem:s6], [sflag:s4] =	dma.local [hbm:s3], $0xF7A  }
0x26: {  	[smem:$0x3F9F] =	sst s1;
	(tag) =	ssettag s2;
	_ =	strace s9  }
0x27: {  	s1 =	sld [smem:$0x3FAF]  }
0x28: {  	s2 =	sld [smem:$0x3FB0]  }
0x29: {  	s4 =	sld [smem:$0x3FB2]  }
0x2a: {  	p0 =	seq.s32 s5, $0x0;
	s5 =	sld [smem:$0x3FB3]  }
0x2b: {  	s6 =	sld [smem:$0x3FB4]  }
0x2c: {  	s7 =	sld [smem:$0x3FB5]  }
0x2d: {  	s3 =	simm.s32 $0x108;
	s8 =	sld [smem:$0x3FB6]  }
0x2e: {  	s3 =	simm.s32 @!p0 $0x1082;
	s9 =	sld [smem:$0x3FB7]  }
0x2f: {  	lr =	sadd.s32 s0, s3;
	s0 =	sld [smem:$0x3FAE]  }
0x30: {  	s3 =	sld [smem:$0x3FB1]  }
0x31: {  	[smem:$0x3FBA] =	sst s10  }
0x32: {  	s10 =	sld [smem:$0x3FB8];
	_ =	sdelay $0x3  }
0x33: {  	p0 =	seq.s32 s10, $0x1;
	s10 =	sld [smem:$0x3FBA];
	_ =	sdelay $0x3  }
0x34: {  	[smem:$0x3FBA] =	sst s10  }
0x35: {  	s10 =	sld [smem:$0x3FB9];
	_ =	sdelay $0x3  }
0x36: {  	p1 =	seq.s32 s10, $0x1;
	s10 =	sld [smem:$0x3FBA];
	_ =	sdelay $0x3  }
0x37: {  	[smem:$0x3FBA] =	sst s10  }
0x38: {  	s10 =	sld [smem:$0x3FBB]  }
0x39: {  	_ = 	snop;
	(pc) =	sbr.ind lr, $3  }
0x3a: {  	_ = 	snop  }
0x3b: {  	_ = 	snop  }
0x3c: {  	p2 =	seq.s32 s10, $0x1;
	s10 =	sld [smem:$0x3FBA]  }
0x3d: {  	_ =	shalt  }
0x3e: {  	_ =	shalt  }
0x3f: {  	_ =	shalt  }
0x40: {  	_ =	shalt  }
0x41: {  	_ =	shalt  }
0x42: {  	_ =	shalt  }
0x43: {  	_ =	shalt  }
0x44: {  	_ =	shalt  }
0x45: {  	_ =	shalt  }
0x46: {  	_ =	shalt  }
0x47: {  	_ =	shalt  }
0x48: {  	_ =	shalt  }
0x49: {  	_ =	shalt  }
0x4a: {  	_ =	shalt  }
0x4b: {  	_ =	shalt  }
0x4c: {  	_ =	shalt  }
0x4d: {  	_ =	shalt  }
0x4e: {  	_ =	shalt  }
0x4f: {  	_ =	shalt  }
0x50: {  	_ =	shalt  }
0x51: {  	_ =	shalt  }
0x52: {  	_ =	shalt  }
0x53: {  	_ =	shalt  }
0x54: {  	_ =	shalt  }
0x55: {  	_ =	shalt  }
0x56: {  	_ =	shalt  }
0x57: {  	_ =	shalt  }
0x58: {  	_ =	shalt  }
0x59: {  	_ =	shalt  }
0x5a: {  	_ =	shalt  }
0x5b: {  	_ =	shalt  }
0x5c: {  	_ =	shalt  }
0x5d: {  	_ =	shalt  }
0x5e: {  	_ =	shalt  }
0x5f: {  	_ =	shalt  }
0x60: {  	_ =	shalt  }
0x61: {  	_ =	shalt  }
0x62: {  	_ =	shalt  }
0x63: {  	_ =	shalt  }
0x64: {  	_ =	shalt  }
0x65: {  	_ =	shalt  }
0x66: {  	_ =	shalt  }
0x67: {  	_ =	shalt  }
0x68: {  	_ =	shalt  }
0x69: {  	_ =	shalt  }
0x6a: {  	_ =	shalt  }
0x6b: {  	_ =	shalt  }
0x6c: {  	_ =	shalt  }
0x6d: {  	_ =	shalt  }
0x6e: {  	_ =	shalt  }
0x6f: {  	_ =	shalt  }
0x70: {  	_ =	shalt  }
0x71: {  	_ =	shalt  }
0x72: {  	_ =	shalt  }
0x73: {  	_ =	shalt  }
0x74: {  	_ =	shalt  }
0x75: {  	_ =	shalt  }
0x76: {  	_ =	shalt  }
0x77: {  	_ =	shalt  }
0x78: {  	_ =	shalt  }
0x79: {  	_ =	shalt  }
0x7a: {  	_ =	shalt  }
0x7b: {  	_ =	shalt  }
0x7c: {  	_ =	shalt  }
0x7d: {  	_ =	shalt  }
0x7e: {  	_ =	shalt  }
0x7f: {  	_ =	shalt  }
0x80: {  	_ =	shalt  }
0x81: {  	_ =	shalt  }
0x82: {  	_ =	shalt  }
0x83: {  	_ =	shalt  }
0x84: {  	_ =	shalt  }
0x85: {  	_ =	shalt  }
0x86: {  	_ =	shalt  }
0x87: {  	_ =	shalt  }
.Lfunc_end0:
.L_simem_size_0:
called_computation.1_lowered:
.L_overlay_start_0:
0x88: {  	s2 =	sld [smem:$0x3FD9]  }
0x89: {  	s3 =	sld [smem:$0x3FFE];
	_ =	sdelay $0x1  }
0x8a: {  	s1 =	srdreg.scid  }
0x8b: {  	s0 =	sand.u32 $0x1, s1  }
0x8c: {  	s17 =	sshll.u32 s0, $0xA;
	s2 =	sadd.s32 s3, s2  }
0x8d: {  	s2 =	sadd.s32 s2, s17  }
0x8e: {  	[smem:$0x3FC6] =	sst s2  }
0x8f: {  	_ = 	snop  }
0x90: {  	s2 =	sld [smem:$0x3FC8]  }
0x91: {  	s18 =	sld [smem:$0x3FD0];
	(tm) =	ssettm $0x1  }
0x92: {  	s4 =	sld [smem:$0x3FFB];
	_ =	sdelay $0x3  }
0x93: {  	_ =	strace s4  }
0x94: {  	s4 =	sld [smem:$0x3FFC];
	_ =	sdelay $0x3  }
0x95: {  	_ =	strace s4  }
0x96: {  	s4 =	sld [smem:$0x3FFD];
	_ =	sdelay $0x3  }
0x97: {  	_ =	strace s4  }
0x98: {  	_ =	strace $0x8FFFFFFF  }
0x99: {  	s19 =	sld [smem:$0x3FDB];
	_ =	sdelay $0x1  }
0x9a: {  	s5 =	simm.s32 $_scs_section_size  }
0x9b: {  	s6 =	simm.s32 $_size__tile_overlayer_lowered;
	s7 =	simm.s32 $_tile_overlayer_lowered  }
0x9c: {  	s22 =	simm.s32 $0x1BFF;
	s21 =	sshll.u32 s7, $0x1;
	s4 =	sadd.s32 s5, s19  }
0x9d: {  	s8 =	simm.s32 $0x0;
	s20 =	sshll.u32 s6, $0x1;
	s6 =	sadd.s32 s21, s4  }
0x9e: {  	[timem:s8], [sflag:s22] =	dma.local [hbm:s6], s20  }
0x9f: {  	_ =	swait.ge [sflag:s22], s20  }
0xa0: {  	s5 =	ssub.s32 $0x0, s20;
	[sflag:s22] =	ssyncset.done $0x0  }
0xa1: {  	[sflag:s22] =	ssyncadd.s32 s5;
	_ =	sdelay $0x1  }
0xa2: {  	s23 =	simm.s32 $0x1B8B  }
0xa3: {  	_ =	swait.ge [sflag:s23], $0x1  }
0xa4: {  	[sflag:s23] =	ssyncset.done $0x0  }
0xa5: {  	s25 =	simm.s32 $0x1B8E;
	s24 =	sld [smem:$0x3FFE];
	[sflag:s23] =	ssyncadd.s32 $0xFFFFFFFF  }
0xa6: {  	s26 =	simm.s32 $execute0_lowered;
	[smem:$0x3FD2] =	sst s25  }
0xa7: {  	s6 =	sshll.u32 s26, $0x1;
	_ =	strace $0x80000046;
	[dreg:$0x1] =	wrdreg $0xFFFFFFFF  }
0xa8: {  	s28 =	simm.s32 $_size_execute0_lowered;
	s4 =	sadd.s32 s4, s6;
	[dreg:$0x0] =	wrdreg $0x0  }
0xa9: {  	s6 =	sshll.u32 s28, $0x1;
	[dreg:$0x2] =	wrdreg s4  }
0xaa: {  	[dreg:$0x3] =	wrdreg s6  }
0xab: {  	[dreg:$0x4] =	wrdreg $0xC0  }
0xac: {  	_ =	task [dreg:s8], $0x5FFFF  }
0xad: {  	[dreg:$0x1] =	wrdreg $0xFFFFFFFF  }
0xae: {  	[dreg:$0x0] =	wrdreg $0x60  }
0xaf: {  	[dreg:$0x2] =	wrdreg s24  }
0xb0: {  	[dreg:$0x3] =	wrdreg s2  }
0xb1: {  	[dreg:$0x4] =	wrdreg s18  }
0xb2: {  	[dreg:$0x5] =	wrdreg $0x9  }
0xb3: {  	_ =	task.clear_ibuf [dreg:s8], $0x6FFFF;
	_ =	strace $0x90000046  }
0xb4: {  	s29 =	simm.s32 $0x9;
	_ =	strace $0x80000048  }
0xb5: {  	_ =	swait.ge [sflag:s29], $0x1  }
0xb6: {  	[sflag:s29] =	ssyncadd.s32 $0xFFFFFFFF  }
0xb7: {  	_ =	strace $0x90000048  }
0xb8: {  	_ =	sfence  }
0xb9: {  	s30 =	sld [smem:$0x0];
	_ =	sdelay $0x2  }
0xba: {  	s31 =	sshll.u32 s1, $0xD;
	s1 =	sshrl.u32 s1, $0x2  }
0xbb: {  	s3 =	sand.u32 $0x4000, s31;
	s1 =	sadd.s32 s1, s30  }
0xbc: {  	s0 =	sor.u32 s3, s0;
	s1 =	sshll.u32 s1, $0x11  }
0xbd: {  	s0 =	sor.u32 s1, s0  }
0xbe: {  	s0 =	sadd.s32 $0x8F2B, s0  }
0xbf: {  	[sflag:s0] =	ssyncadd.remote.s32 $0x1  }
0xc0: {  	_ =	sfence.sel $0xFFFF  }
0xc1: {  	[dreg:$0x0] =	wrdreg $0xFFFFFFFF;
	(pc) =	sbr.abs _section_cstart, $3  }
0xc2: {  	[dreg:$0x1] =	wrdreg $0xFFFFFFFF  }
0xc3: {  	_ =	task.clear_ibuf [dreg:s8], $0x2FFFF;
	_ =	strace $0x9FFFFFFF  }
0xc4: {  	(tm) =	ssettm $0x7FFFFFFF  }
0xc5: {  	_ =	shalt  }
tec
execute0_lowered:
.L_overlay_start_1:
0x0: {  	(tag) =	ssettag $0x1  }
0x1: {  	s6 =	rddreg [dreg:$0x0]  }
0x2: {  	s1 =	srdreg.scid;
	s2 =	rddreg [dreg:$0x1]  }
0x3: {  	s0 =	stileid.u32;
	s3 =	rddreg [dreg:$0x2]  }
0x4: {  	s5 =	simm.s32 $0x0;
	s10 =	simm.s32 $0x380;
	s11 =	simm.s32 $0x6800  }
0x5: {  	s12 =	simm.s32 $0x12800;
	s7 =	sand.u32 $0x1, s1;
	s30 =	sshll.u32 s0, $0x1  }
0x6: {  	v0 =	vlaneseq.u32;
	s13 =	simm.s32 $0x1;
	s14 =	simm.s32 $0x2;
	s8 =	sor.u32 s7, s30  }
0x7: {  	s15 =	simm.s32 $0x0;
	s1 =	rddreg [dreg:$0x3];
	v1 =	vmul.u32 $0x80, v0;
	s4 =	smul.u32 $0x6480, s8  }
0x8: {  	[smem:$0x7FF] =	sst s5;
	s7 =	ssub.s32 $0x2, s7;
	s8 =	smul.u32 $0x64800, s8  }
0x9: {  	_ =	strace $0x80000047;
	s31 =	sshrl.u32 s7, $0x1;
	v2 =	vor.u32 $0x10, v1;
	s9 =	sshrl.u32 s4, $0x3  }
0xa: {  	v4 =	vor.u32 $0x30, v1;
	v5 =	vor.u32 $0x40, v1;
	[tilespmem:$0x1FFE0] =	vst v2;
	v2 =	vor.u32 $0x20, v1;
	s6 =	sadd.s32 s9, s6;
	s9 =	ssub.s32 s7, s31;
	s7 =	sadd.s32 s3, s8  }
0xb: {  	v6 =	vor.u32 $0x50, v1;
	v7 =	vor.u32 $0x60, v1;
	v3 =	vmovc v1;
	v8 =	vor.u32 $0x70, v1;
	[tilespmem:$0x1FFF0] =	vst v2;
	s6 =	sadd.s32 $0x800, s6;
	s8 =	smax.u32 s9, $0x1;
	s9 =	simm.s32 $0x3  }
.LBB2_1:
0xc: {  	[tilespmem:s5], [sflag:$0x3] =	stream.linear.gather [hbm4b:s2+s5], $0x380, $0x38;
	[tilespmem:$0x1E800] =	vst v63  }
0xd: {  	_ =	swait.ge [sflag:s9], $0x380  }
0xe: {  	[sflag:s9] =	ssyncset.done $0x0  }
0xf: {  	[sflag:s9] =	ssyncadd.s32 $0xFFFFFC80  }
0x10: {  	[tilespmem:s10], [sflag:$0x3] =	stream.linear.gather [hbm4b:s6+s5], $0x6480, $0x38;
	[tilespmem:$0x1E800] =	vst v63  }
0x11: {  	_ =	swait.ge [sflag:s9], $0x6480  }
0x12: {  	[sflag:s9] =	ssyncset.done $0x0  }
0x13: {  	s16 =	simm.s32 $0x0;
	[sflag:s9] =	ssyncadd.s32 $0xFFFF9B80  }
.LBB2_2:
0x14: {  	s17 =	sshll.u32 s16, $0x4  }
0x15: {  	s17 =	sand.u32 $0x3FFFFFF0, s17  }
0x16: {  	v9 =	vld [tilespmem:s17+$0x380];
	_ =	sdelay $0x2  }
0x17: {  	s23 =	simm.s32 $0x1  }
0x18: {  	s24 =	simm.s32 $0x2;
	v34 =	vadd.s32 s23, v0  }
0x19: {  	s25 =	simm.s32 $0x3;
	v39 =	vadd.s32 s24, v0;
	v37 =	vand.u32 $0xF, v34;
	v9 =	vshll.u32 v9, $0x7  }
0x1a: {  	s18 =	simm.s32 $0x0;
	v35 =	vadd.s32 s25, v0;
	v36 =	vand.u32 $0xF, v39;
	v12 =	vor.u32 v9, v37  }
0x1b: {  	v38 =	vadd.s32 s18, v0;
	v40 =	vand.u32 $0xF, v35;
	v13 =	vor.u32 v9, v36  }
0x1c: {  	v41 =	vand.u32 $0xF, v38;
	v14 =	vor.u32 v9, v40  }
0x1d: {  	s26 =	sshll.u32 s16, $0xB;
	v15 =	vor.u32 v9, v41  }
0x1e: {  	v1 =	vld [tilespmem:$0x1FFE0];
	v10 =	vor.u32 s26, v3  }
0x1f: {  	v16 =	vor.u32 v10, v37;
	v12 =	vld.idx.msk [tilespmem:v12+s5+$0x0], $0xffff  }
0x20: {  	v19 =	vor.u32 v10, v36;
	v18 =	vld.idx.msk [tilespmem:v13+s5+$0x0], $0xffff  }
0x21: {  	v22 =	vor.u32 v10, v40;
	v11 =	vor.u32 $0x10, v9;
	v21 =	vld.idx.msk [tilespmem:v14+s5+$0x0], $0xffff  }
0x22: {  	v24 =	vor.u32 v10, v41;
	v17 =	vor.u32 v11, v34;
	v15 =	vld.idx.msk [tilespmem:v15+s5+$0x0], $0xffff;
	_ =	sdelay $0x1  }
0x23: {  	v20 =	vor.u32 v11, v39;
	[tilespmem:v16+s11+$0x0] =	vst.idx.msk $0xffff, v12  }
0x24: {  	v23 =	vor.u32 v11, v35;
	[tilespmem:v19+s11+$0x0] =	vst.idx.msk $0xffff, v18  }
0x25: {  	[tilespmem:v22+s11+$0x0] =	vst.idx.msk $0xffff, v21  }
0x26: {  	v13 =	vor.u32 s26, v1;
	[tilespmem:v24+s11+$0x0] =	vst.idx.msk $0xffff, v15;
	v16 =	vld.idx.msk [tilespmem:v17+s5+$0x0], $0xffff  }
0x27: {  	v14 =	vor.u32 $0x20, v9;
	v12 =	vor.u32 v11, v38;
	v17 =	vor.u32 v13, v34;
	v1 =	vld [tilespmem:$0x1FFF0]  }
0x28: {  	v25 =	vor.u32 v13, v39;
	v18 =	vor.u32 v14, v37;
	v19 =	vld.idx.msk [tilespmem:v20+s5+$0x0], $0xffff  }
0x29: {  	v26 =	vor.u32 v13, v35;
	v21 =	vor.u32 v14, v36;
	v22 =	vld.idx.msk [tilespmem:v23+s5+$0x0], $0xffff  }
0x2a: {  	v15 =	vor.u32 v14, v40;
	_ =	sdelay $0x1  }
0x2b: {  	v24 =	vor.u32 v13, v38;
	v23 =	vor.u32 $0x30, v9;
	v12 =	vld.idx.msk [tilespmem:v12+s5+$0x0], $0xffff;
	v20 =	vor.u32 s26, v1;
	[tilespmem:v17+s11+$0x0] =	vst.idx.msk $0xffff, v16  }
0x2c: {  	v16 =	vor.u32 v14, v41;
	[tilespmem:v25+s11+$0x0] =	vst.idx.msk $0xffff, v19;
	v17 =	vld.idx.msk [tilespmem:v18+s5+$0x0], $0xffff;
	v18 =	vor.u32 v20, v37  }
0x2d: {  	v19 =	vor.u32 v23, v34;
	[tilespmem:v26+s11+$0x0] =	vst.idx.msk $0xffff, v22;
	v21 =	vld.idx.msk [tilespmem:v21+s5+$0x0], $0xffff;
	v25 =	vor.u32 v20, v36  }
0x2e: {  	v28 =	vor.u32 s26, v4;
	v22 =	vor.u32 v23, v39;
	v15 =	vld.idx.msk [tilespmem:v15+s5+$0x0], $0xffff;
	v29 =	vor.u32 v20, v40  }
0x2f: {  	v42 =	vor.u32 v28, v34  }
0x30: {  	v43 =	vor.u32 v28, v39;
	[tilespmem:v24+s11+$0x0] =	vst.idx.msk $0xffff, v12;
	v12 =	vor.u32 v23, v35  }
0x31: {  	v44 =	vor.u32 v28, v35;
	v31 =	vor.u32 v20, v41;
	v24 =	vld.idx.msk [tilespmem:v16+s5+$0x0], $0xffff;
	[tilespmem:v18+s11+$0x0] =	vst.idx.msk $0xffff, v17  }
0x32: {  	s29 =	simm.s32 $0x5;
	v30 =	vor.u32 $0x40, v9;
	v32 =	vor.u32 v23, v38;
	[tilespmem:v25+s11+$0x0] =	vst.idx.msk $0xffff, v21;
	v33 =	vld.idx.msk [tilespmem:v19+s5+$0x0], $0xffff  }
0x33: {  	v27 =	vor.u32 s26, v5;
	v21 =	vor.u32 v30, v37;
	[tilespmem:v29+s11+$0x0] =	vst.idx.msk $0xffff, v15;
	v15 =	vadd.s32 s29, v0;
	v22 =	vld.idx.msk [tilespmem:v22+s5+$0x0], $0xffff  }
0x34: {  	s28 =	simm.s32 $0x4;
	v61 =	vor.u32 v28, v38;
	v45 =	vor.u32 v30, v36;
	v29 =	vand.u32 $0xF, v15  }
0x35: {  	s30 =	simm.s32 $0x6;
	v63 =	vor.u32 v27, v37;
	v50 =	vor.u32 v9, v29;
	v46 =	vld.idx.msk [tilespmem:v12+s5+$0x0], $0xffff;
	v12 =	vadd.s32 s28, v0  }
0x36: {  	v47 =	vor.u32 v30, v40;
	v25 =	vadd.s32 s30, v0;
	[tilespmem:v31+s11+$0x0] =	vst.idx.msk $0xffff, v24;
	v19 =	vand.u32 $0xF, v12  }
0x37: {  	v48 =	vld.idx.msk [tilespmem:v32+s5+$0x0], $0xffff;
	v59 =	vor.u32 v9, v19;
	v32 =	vand.u32 $0xF, v25;
	[tilespmem:v42+s11+$0x0] =	vst.idx.msk $0xffff, v33  }
0x38: {  	s31 =	simm.s32 $0x7;
	v26 =	vor.u32 $0x50, v9;
	[tilespmem:v43+s11+$0x0] =	vst.idx.msk $0xffff, v22;
	v60 =	vor.u32 v9, v32;
	v49 =	vld.idx.msk [tilespmem:v21+s5+$0x0], $0xffff  }
0x39: {  	v52 =	vor.u32 v27, v36;
	v51 =	vor.u32 v26, v34;
	v21 =	vadd.s32 s31, v0;
	v45 =	vld.idx.msk [tilespmem:v45+s5+$0x0], $0xffff  }
0x3a: {  	v62 =	vor.u32 v26, v39;
	v50 =	vld.idx.msk [tilespmem:v50+s5+$0x0], $0xffff;
	[tilespmem:v44+s11+$0x0] =	vst.idx.msk $0xffff, v46;
	v31 =	vand.u32 $0xF, v21  }
0x3b: {  	v55 =	vor.u32 v27, v40;
	v47 =	vld.idx.msk [tilespmem:v47+s5+$0x0], $0xffff;
	v53 =	vor.u32 v9, v31  }
0x3c: {  	v18 =	vor.u32 s26, v6;
	v57 =	vor.u32 v10, v29;
	v42 =	vor.u32 v26, v35;
	v54 =	vld.idx.msk [tilespmem:v59+s5+$0x0], $0xffff  }
0x3d: {  	v56 =	vor.u32 v10, v19;
	v59 =	vor.u32 v11, v15;
	v43 =	vld.idx.msk [tilespmem:v60+s5+$0x0], $0xffff;
	[tilespmem:v63+s11+$0x0] =	vst.idx.msk $0xffff, v49  }
0x3e: {  	v63 =	vor.u32 v11, v12;
	[tilespmem:v52+s11+$0x0] =	vst.idx.msk $0xffff, v45;
	v52 =	vor.u32 v10, v32;
	v51 =	vld.idx.msk [tilespmem:v51+s5+$0x0], $0xffff  }
0x3f: {  	v58 =	vor.u32 v18, v34;
	[tilespmem:v61+s11+$0x0] =	vst.idx.msk $0xffff, v48;
	v45 =	vor.u32 v30, v41;
	v44 =	vld.idx.msk [tilespmem:v62+s5+$0x0], $0xffff  }
0x40: {  	v16 =	vor.u32 $0x60, v9;
	v17 =	vor.u32 s26, v7;
	v60 =	vor.u32 v18, v39;
	v48 =	vld.idx.msk [tilespmem:v53+s5+$0x0], $0xffff;
	[tilespmem:v55+s11+$0x0] =	vst.idx.msk $0xffff, v47  }
0x41: {  	v46 =	vor.u32 v11, v25;
	v61 =	vor.u32 v10, v31;
	[tilespmem:v57+s11+$0x0] =	vst.idx.msk $0xffff, v50;
	v55 =	vld.idx.msk [tilespmem:v42+s5+$0x0], $0xffff  }
0x42: {  	v62 =	vor.u32 v16, v36;
	[tilespmem:v56+s11+$0x0] =	vst.idx.msk $0xffff, v54;
	v57 =	vld.idx.msk [tilespmem:v59+s5+$0x0], $0xffff;
	v59 =	vor.u32 v13, v15  }
0x43: {  	v50 =	vor.u32 v13, v12;
	v42 =	vld.idx.msk [tilespmem:v63+s5+$0x0], $0xffff;
	v63 =	vor.u32 v11, v21;
	[tilespmem:v52+s11+$0x0] =	vst.idx.msk $0xffff, v43  }
0x44: {  	v43 =	vld.idx.msk [tilespmem:v45+s5+$0x0], $0xffff;
	v45 =	vor.u32 v27, v41;
	v52 =	vor.u32 v14, v29;
	[tilespmem:v58+s11+$0x0] =	vst.idx.msk $0xffff, v51  }
0x45: {  	v24 =	vor.u32 $0x70, v9;
	v22 =	vor.u32 s26, v8;
	v51 =	vor.u32 v16, v37;
	[tilespmem:v60+s11+$0x0] =	vst.idx.msk $0xffff, v44  }
0x46: {  	v58 =	vor.u32 v14, v19;
	v46 =	vld.idx.msk [tilespmem:v46+s5+$0x0], $0xffff;
	v44 =	vor.u32 v13, v25;
	[tilespmem:v61+s11+$0x0] =	vst.idx.msk $0xffff, v48  }
0x47: {  	v56 =	vor.u32 v26, v38;
	v60 =	vor.u32 v18, v35;
	v48 =	vld.idx.msk [tilespmem:v62+s5+$0x0], $0xffff;
	[tilespmem:v59+s11+$0x0] =	vst.idx.msk $0xffff, v57  }
0x48: {  	v53 =	vor.u32 v14, v32;
	v59 =	vor.u32 v17, v36;
	v49 =	vld.idx.msk [tilespmem:v63+s5+$0x0], $0xffff;
	[tilespmem:v50+s11+$0x0] =	vst.idx.msk $0xffff, v42  }
0x49: {  	v50 =	vor.u32 v13, v21;
	v52 =	vld.idx.msk [tilespmem:v52+s5+$0x0], $0xffff;
	[tilespmem:v45+s11+$0x0] =	vst.idx.msk $0xffff, v43;
	v43 =	vor.u32 v24, v39  }
0x4a: {  	v33 =	vor.u32 v28, v21;
	v62 =	vor.u32 v20, v29;
	v42 =	vld.idx.msk [tilespmem:v51+s5+$0x0], $0xffff;
	v51 =	vor.u32 v16, v40  }
0x4b: {  	v61 =	vor.u32 v20, v19;
	v57 =	vor.u32 v14, v31;
	v58 =	vld.idx.msk [tilespmem:v58+s5+$0x0], $0xffff;
	[tilespmem:v44+s11+$0x0] =	vst.idx.msk $0xffff, v46  }
0x4c: {  	v47 =	vor.u32 v16, v41;
	v44 =	vld.idx.msk [tilespmem:v56+s5+$0x0], $0xffff;
	v46 =	vor.u32 v23, v15;
	[tilespmem:v60+s11+$0x0] =	vst.idx.msk $0xffff, v55  }
0x4d: {  	v54 =	vor.u32 v18, v38;
	v45 =	vor.u32 v23, v12;
	v53 =	vld.idx.msk [tilespmem:v53+s5+$0x0], $0xffff;
	[tilespmem:v59+s11+$0x0] =	vst.idx.msk $0xffff, v48  }
0x4e: {  	v41 =	vor.u32 v17, v41;
	v55 =	vor.u32 v20, v32;
	[tilespmem:v50+s11+$0x0] =	vst.idx.msk $0xffff, v49;
	v43 =	vld.idx.msk [tilespmem:v43+s5+$0x0], $0xffff  }
0x4f: {  	v56 =	vor.u32 v23, v25;
	v59 =	vor.u32 v17, v40;
	[tilespmem:v62+s11+$0x0] =	vst.idx.msk $0xffff, v52;
	v49 =	vld.idx.msk [tilespmem:v51+s5+$0x0], $0xffff  }
0x50: {  	v60 =	vor.u32 v24, v35;
	v57 =	vld.idx.msk [tilespmem:v57+s5+$0x0], $0xffff;
	[tilespmem:v61+s11+$0x0] =	vst.idx.msk $0xffff, v58;
	v58 =	vor.u32 v20, v31  }
0x51: {  	v36 =	vor.u32 v22, v34;
	v62 =	vor.u32 v22, v39;
	v61 =	vor.u32 v23, v21;
	v50 =	vld.idx.msk [tilespmem:v46+s5+$0x0], $0xffff  }
0x52: {  	v48 =	vor.u32 v24, v34;
	v39 =	vor.u32 v17, v37;
	[tilespmem:v54+s11+$0x0] =	vst.idx.msk $0xffff, v44;
	v40 =	vld.idx.msk [tilespmem:v45+s5+$0x0], $0xffff  }
0x53: {  	v52 =	vor.u32 v28, v15;
	v37 =	vor.u32 v22, v38;
	[tilespmem:v55+s11+$0x0] =	vst.idx.msk $0xffff, v53;
	v46 =	vld.idx.msk [tilespmem:v47+s5+$0x0], $0xffff  }
0x54: {  	v51 =	vor.u32 v30, v29;
	v54 =	vor.u32 v28, v25;
	v53 =	vld.idx.msk [tilespmem:v56+s5+$0x0], $0xffff;
	[tilespmem:v59+s11+$0x0] =	vst.idx.msk $0xffff, v49  }
0x55: {  	v44 =	vor.u32 v22, v35;
	v45 =	vor.u32 v24, v38;
	[tilespmem:v58+s11+$0x0] =	vst.idx.msk $0xffff, v57;
	v47 =	vld.idx.msk [tilespmem:v60+s5+$0x0], $0xffff  }
0x56: {  	s17 =	simm.s32 $0x8;
	v56 =	vor.u32 v30, v32;
	[tilespmem:v62+s11+$0x0] =	vst.idx.msk $0xffff, v43;
	v49 =	vor.u32 v26, v15;
	v55 =	vld.idx.msk [tilespmem:v61+s5+$0x0], $0xffff  }
.LBB2_3:
0x57: {  	s18 =	sadd.s32 $0x1, s17;
	v57 =	vor.u32 v27, v29;
	v58 =	vor.u32 v27, v32;
	v34 =	vmov v12  }
0x58: {  	p0 =	slt.u32 s17, $0xC;
	[tilespmem:v39+s11+$0x0] =	vst.idx.msk $0xffff, v42;
	v12 =	vadd.s32 s17, v0;
	v43 =	vmovc v19;
	v35 =	vmovc v15;
	v38 =	vmov v29;
	v39 =	vmov v25;
	s19 =	smov.u32 s17;
	s17 =	sadd.s32 $0x4, s17  }
0x59: {  	v42 =	vor.u32 v30, v31;
	v19 =	vand.u32 $0xF, v12;
	v15 =	vadd.s32 s18, v0;
	s18 =	sadd.s32 $0x2, s19;
	[tilespmem:v52+s11+$0x0] =	vst.idx.msk $0xffff, v50;
	v48 =	vld.idx.msk [tilespmem:v48+s5+$0x0], $0xffff  }
0x5a: {  	v50 =	vor.u32 v9, v19;
	v29 =	vand.u32 $0xF, v15;
	v25 =	vadd.s32 s18, v0;
	s18 =	sadd.s32 $0x3, s19;
	v51 =	vld.idx.msk [tilespmem:v51+s5+$0x0], $0xffff;
	[tilespmem:v41+s11+$0x0] =	vst.idx.msk $0xffff, v46  }
0x5b: {  	v41 =	vor.u32 v9, v29;
	v46 =	vand.u32 $0xF, v25;
	v52 =	vadd.s32 s18, v0;
	[tilespmem:v54+s11+$0x0] =	vst.idx.msk $0xffff, v53;
	v45 =	vld.idx.msk [tilespmem:v45+s5+$0x0], $0xffff  }
0x5c: {  	v53 =	vor.u32 v9, v46;
	v54 =	vand.u32 $0xF, v52;
	v56 =	vld.idx.msk [tilespmem:v56+s5+$0x0], $0xffff;
	[tilespmem:v44+s11+$0x0] =	vst.idx.msk $0xffff, v47;
	v47 =	vmov v32  }
0x5d: {  	v32 =	vmov v46;
	v59 =	vor.u32 v9, v54;
	[tilespmem:v33+s11+$0x0] =	vst.idx.msk $0xffff, v55;
	v33 =	vor.u32 v28, v52  }
0x5e: {  	v46 =	vor.u32 v28, v34;
	v44 =	vmovc v21;
	v21 =	vmov v52;
	v55 =	vor.u32 v26, v39;
	v42 =	vld.idx.msk [tilespmem:v42+s5+$0x0], $0xffff  }
0x5f: {  	v60 =	vor.u32 v27, v31;
	v52 =	vor.u32 v18, v35;
	v50 =	vld.idx.msk [tilespmem:v50+s5+$0x0], $0xffff;
	[tilespmem:v36+s11+$0x0] =	vst.idx.msk $0xffff, v48  }
0x60: {  	v36 =	vor.u32 v10, v19;
	v48 =	vor.u32 v26, v44;
	v41 =	vld.idx.msk [tilespmem:v41+s5+$0x0], $0xffff;
	[tilespmem:v57+s11+$0x0] =	vst.idx.msk $0xffff, v51  }
0x61: {  	v51 =	vor.u32 v11, v12;
	v57 =	vor.u32 v10, v29;
	v49 =	vld.idx.msk [tilespmem:v49+s5+$0x0], $0xffff;
	[tilespmem:v37+s11+$0x0] =	vst.idx.msk $0xffff, v45  }
0x62: {  	v37 =	vor.u32 v11, v15;
	v45 =	vld.idx.msk [tilespmem:v53+s5+$0x0], $0xffff;
	v53 =	vor.u32 v30, v43;
	[tilespmem:v58+s11+$0x0] =	vst.idx.msk $0xffff, v56  }
0x63: {  	v56 =	vor.u32 v10, v32;
	[tilespmem:v46+s11+$0x0] =	vst.idx.msk $0xffff, v40;
	v40 =	vor.u32 v26, v34;
	v46 =	vld.idx.msk [tilespmem:v55+s5+$0x0], $0xffff  }
0x64: {  	v55 =	vor.u32 v11, v25;
	v58 =	vld.idx.msk [tilespmem:v59+s5+$0x0], $0xffff;
	v59 =	vor.u32 v18, v39;
	[tilespmem:v60+s11+$0x0] =	vst.idx.msk $0xffff, v42  }
0x65: {  	v42 =	vor.u32 v16, v47;
	[tilespmem:v36+s11+$0x0] =	vst.idx.msk $0xffff, v50;
	v36 =	vor.u32 v10, v54;
	v48 =	vld.idx.msk [tilespmem:v48+s5+$0x0], $0xffff  }
0x66: {  	v50 =	vld.idx.msk [tilespmem:v51+s5+$0x0], $0xffff;
	[tilespmem:v57+s11+$0x0] =	vst.idx.msk $0xffff, v41;
	v41 =	vor.u32 v11, v21;
	v51 =	vor.u32 v27, v43  }
0x67: {  	v57 =	vor.u32 v13, v12;
	v37 =	vld.idx.msk [tilespmem:v37+s5+$0x0], $0xffff;
	[tilespmem:v52+s11+$0x0] =	vst.idx.msk $0xffff, v49;
	v49 =	vor.u32 v16, v38  }
0x68: {  	v60 =	vor.u32 v13, v15;
	v52 =	vor.u32 v14, v19;
	[tilespmem:v56+s11+$0x0] =	vst.idx.msk $0xffff, v45;
	v45 =	vld.idx.msk [tilespmem:v53+s5+$0x0], $0xffff  }
0x69: {  	v53 =	vor.u32 v14, v29;
	v55 =	vld.idx.msk [tilespmem:v55+s5+$0x0], $0xffff;
	[tilespmem:v59+s11+$0x0] =	vst.idx.msk $0xffff, v46;
	v46 =	vmov v31;
	v31 =	vmov v54  }
0x6a: {  	v56 =	vor.u32 v16, v43;
	v54 =	vor.u32 v13, v25;
	[tilespmem:v36+s11+$0x0] =	vst.idx.msk $0xffff, v58;
	v58 =	vld.idx.msk [tilespmem:v42+s5+$0x0], $0xffff  }
0x6b: {  	v61 =	vor.u32 v18, v44;
	v59 =	vor.u32 v18, v34;
	v36 =	vor.u32 v14, v32;
	v41 =	vld.idx.msk [tilespmem:v41+s5+$0x0], $0xffff  }
0x6c: {  	[tilespmem:v57+s11+$0x0] =	vst.idx.msk $0xffff, v50;
	v50 =	vor.u32 v13, v21;
	v42 =	vld.idx.msk [tilespmem:v49+s5+$0x0], $0xffff;
	v49 =	vor.u32 v16, v46  }
0x6d: {  	v47 =	vor.u32 v17, v47;
	v52 =	vld.idx.msk [tilespmem:v52+s5+$0x0], $0xffff;
	[tilespmem:v60+s11+$0x0] =	vst.idx.msk $0xffff, v37;
	v37 =	vor.u32 v14, v31  }
0x6e: {  	v57 =	vor.u32 v20, v19;
	v53 =	vld.idx.msk [tilespmem:v53+s5+$0x0], $0xffff;
	[tilespmem:v51+s11+$0x0] =	vst.idx.msk $0xffff, v45;
	v45 =	vor.u32 v24, v39  }
0x6f: {  	v60 =	vor.u32 v20, v29;
	v51 =	vor.u32 v23, v12;
	[tilespmem:v54+s11+$0x0] =	vst.idx.msk $0xffff, v55;
	v54 =	vld.idx.msk [tilespmem:v40+s5+$0x0], $0xffff  }
0x70: {  	v55 =	vor.u32 v23, v15;
	v62 =	vld.idx.msk [tilespmem:v36+s5+$0x0], $0xffff;
	v36 =	vor.u32 v22, v35;
	[tilespmem:v61+s11+$0x0] =	vst.idx.msk $0xffff, v48  }
0x71: {  	v48 =	vor.u32 v20, v32;
	[tilespmem:v50+s11+$0x0] =	vst.idx.msk $0xffff, v41;
	v41 =	vor.u32 v17, v43;
	v43 =	vld.idx.msk [tilespmem:v49+s5+$0x0], $0xffff  }
0x72: {  	v49 =	vor.u32 v23, v25;
	v61 =	vld.idx.msk [tilespmem:v37+s5+$0x0], $0xffff;
	[tilespmem:v47+s11+$0x0] =	vst.idx.msk $0xffff, v58;
	v47 =	vor.u32 v17, v46  }
0x73: {  	v63 =	vor.u32 v24, v44;
	[tilespmem:v57+s11+$0x0] =	vst.idx.msk $0xffff, v52;
	v57 =	vor.u32 v20, v31;
	v58 =	vld.idx.msk [tilespmem:v45+s5+$0x0], $0xffff  }
0x74: {  	v1 =	vor.u32 v22, v39;
	v40 =	vld.idx.msk [tilespmem:v51+s5+$0x0], $0xffff;
	[tilespmem:v60+s11+$0x0] =	vst.idx.msk $0xffff, v53;
	v60 =	vor.u32 v23, v21  }
.Ltmp0:
0x75: {  	v39 =	vor.u32 v17, v38;
	v45 =	vor.u32 v24, v34;
	v50 =	vld.idx.msk [tilespmem:v55+s5+$0x0], $0xffff;
	[tilespmem:v59+s11+$0x0] =	vst.idx.msk $0xffff, v54;
	(pc) =	sbr.rel @p0 .LBB2_3-.Ltmp0, $4  }
0x76: {  	v52 =	vor.u32 v28, v15;
	[tilespmem:v48+s11+$0x0] =	vst.idx.msk $0xffff, v62;
	v46 =	vld.idx.msk [tilespmem:v56+s5+$0x0], $0xffff;
	v48 =	vor.u32 v24, v35  }
0x77: {  	v37 =	vor.u32 v22, v34;
	v51 =	vor.u32 v30, v29;
	v53 =	vld.idx.msk [tilespmem:v49+s5+$0x0], $0xffff;
	[tilespmem:v47+s11+$0x0] =	vst.idx.msk $0xffff, v43  }
0x78: {  	v44 =	vor.u32 v22, v44;
	v54 =	vor.u32 v28, v25;
	[tilespmem:v57+s11+$0x0] =	vst.idx.msk $0xffff, v61;
	v47 =	vld.idx.msk [tilespmem:v63+s5+$0x0], $0xffff  }
0x79: {  	v56 =	vor.u32 v30, v32;
	v49 =	vor.u32 v26, v15;
	v55 =	vld.idx.msk [tilespmem:v60+s5+$0x0], $0xffff;
	[tilespmem:v1+s11+$0x0] =	vst.idx.msk $0xffff, v58  }
0x7a: {  	_ = 	snop  }
0x7b: {  	v1 =	vor.u32 v30, v31  }
0x7c: {  	v9 =	vor.u32 v28, v12  }
0x7d: {  	v10 =	vor.u32 v30, v19  }
0x7e: {  	[tilespmem:v54+s11+$0x0] =	vst.idx.msk $0xffff, v53  }
0x7f: {  	v11 =	vor.u32 v27, v32;
	v13 =	vld.idx.msk [tilespmem:v56+s5+$0x0], $0xffff;
	[tilespmem:v33+s11+$0x0] =	vst.idx.msk $0xffff, v55  }
0x80: {  	[tilespmem:v52+s11+$0x0] =	vst.idx.msk $0xffff, v50;
	v14 =	vor.u32 v26, v25;
	v20 =	vor.u32 v27, v31;
	v1 =	vld.idx.msk [tilespmem:v1+s5+$0x0], $0xffff  }
0x81: {  	v23 =	vor.u32 v27, v29;
	v63 =	vor.u32 v26, v21;
	v62 =	vld.idx.msk [tilespmem:v51+s5+$0x0], $0xffff;
	[tilespmem:v9+s11+$0x0] =	vst.idx.msk $0xffff, v40  }
0x82: {  	v9 =	vor.u32 v27, v19;
	v10 =	vld.idx.msk [tilespmem:v10+s5+$0x0], $0xffff  }
0x83: {  	v33 =	vor.u32 v26, v12  }
0x84: {  	[tilespmem:v11+s11+$0x0] =	vst.idx.msk $0xffff, v13  }
0x85: {  	v34 =	vor.u32 v18, v25;
	v11 =	vld.idx.msk [tilespmem:v14+s5+$0x0], $0xffff;
	[tilespmem:v20+s11+$0x0] =	vst.idx.msk $0xffff, v1  }
0x86: {  	v38 =	vor.u32 v18, v21;
	[tilespmem:v23+s11+$0x0] =	vst.idx.msk $0xffff, v62;
	v1 =	vor.u32 v16, v32;
	v35 =	vld.idx.msk [tilespmem:v63+s5+$0x0], $0xffff  }
0x87: {  	v40 =	vor.u32 v18, v15;
	v43 =	vld.idx.msk [tilespmem:v49+s5+$0x0], $0xffff;
	v49 =	vor.u32 v16, v31;
	[tilespmem:v9+s11+$0x0] =	vst.idx.msk $0xffff, v10  }
0x88: {  	v9 =	vor.u32 v16, v29;
	v10 =	vor.u32 v18, v12;
	v50 =	vld.idx.msk [tilespmem:v33+s5+$0x0], $0xffff  }
0x89: {  	[tilespmem:v39+s11+$0x0] =	vst.idx.msk $0xffff, v42;
	v51 =	vor.u32 v16, v19  }
0x8a: {  	[tilespmem:v34+s11+$0x0] =	vst.idx.msk $0xffff, v11  }
0x8b: {  	v11 =	vor.u32 v17, v32;
	v1 =	vld.idx.msk [tilespmem:v1+s5+$0x0], $0xffff;
	[tilespmem:v38+s11+$0x0] =	vst.idx.msk $0xffff, v35  }
0x8c: {  	v52 =	vor.u32 v24, v25;
	v53 =	vor.u32 v17, v31;
	[tilespmem:v40+s11+$0x0] =	vst.idx.msk $0xffff, v43;
	v14 =	vld.idx.msk [tilespmem:v49+s5+$0x0], $0xffff  }
0x8d: {  	v54 =	vor.u32 v24, v21;
	v9 =	vld.idx.msk [tilespmem:v9+s5+$0x0], $0xffff;
	[tilespmem:v10+s11+$0x0] =	vst.idx.msk $0xffff, v50;
	v10 =	vor.u32 v17, v29  }
0x8e: {  	[tilespmem:v41+s11+$0x0] =	vst.idx.msk $0xffff, v46;
	v56 =	vor.u32 v24, v15;
	v55 =	vor.u32 v17, v19;
	v16 =	vld.idx.msk [tilespmem:v51+s5+$0x0], $0xffff  }
0x8f: {  	v58 =	vor.u32 v24, v12;
	v57 =	vld.idx.msk [tilespmem:v48+s5+$0x0], $0xffff;
	[tilespmem:v44+s11+$0x0] =	vst.idx.msk $0xffff, v47  }
0x90: {  	v59 =	vld.idx.msk [tilespmem:v45+s5+$0x0], $0xffff;
	[tilespmem:v11+s11+$0x0] =	vst.idx.msk $0xffff, v1  }
0x91: {  	v11 =	vor.u32 v22, v25;
	v1 =	vld.idx.msk [tilespmem:v52+s5+$0x0], $0xffff;
	[tilespmem:v53+s11+$0x0] =	vst.idx.msk $0xffff, v14  }
0x92: {  	v61 =	vor.u32 v22, v21;
	[tilespmem:v10+s11+$0x0] =	vst.idx.msk $0xffff, v9;
	v60 =	vld.idx.msk [tilespmem:v54+s5+$0x0], $0xffff  }
0x93: {  	s16 =	sadd.s32 $0x1, s16;
	v9 =	vor.u32 v22, v15;
	v10 =	vld.idx.msk [tilespmem:v56+s5+$0x0], $0xffff;
	[tilespmem:v55+s11+$0x0] =	vst.idx.msk $0xffff, v16  }
0x94: {  	p0 =	sne.s32 s16, $0x18;
	[tilespmem:v36+s11+$0x0] =	vst.idx.msk $0xffff, v57;
	v62 =	vor.u32 v22, v12;
	v63 =	vld.idx.msk [tilespmem:v58+s5+$0x0], $0xffff  }
.Ltmp1:
0x95: {  	[tilespmem:v37+s11+$0x0] =	vst.idx.msk $0xffff, v59;
	(pc) =	sbr.rel @p0 .LBB2_2-.Ltmp1, $4  }
0x96: {  	[tilespmem:v11+s11+$0x0] =	vst.idx.msk $0xffff, v1  }
0x97: {  	[tilespmem:v61+s11+$0x0] =	vst.idx.msk $0xffff, v60  }
0x98: {  	[tilespmem:v9+s11+$0x0] =	vst.idx.msk $0xffff, v10  }
0x99: {  	[tilespmem:v62+s11+$0x0] =	vst.idx.msk $0xffff, v63  }
0x9a: {  	s16 =	simm.s32 $0x0  }
0x9b: {  	[hbm4b:s7+s16] =	stream.linear.scatter [tilespmem:s11], [sflag:$0x1], $0xC000, $0x38;
	[tilespmem:$0x1E800] =	vst v63  }
.LBB2_6:
0x9c: {  	p0 =	seq.s32 s16, $0x0  }
0x9d: {  	s18 =	simm.s32 @!p0 $0x2  }
0x9e: {  	s17 =	smul.u32 $0x300, s16;
	_ =	swait.ge @!p0 [sflag:s18], $0xC000  }
0x9f: {  	[sflag:s18] =	ssyncset.done @!p0 $0x0  }
0xa0: {  	s19 =	simm.s32 $0x0;
	[sflag:s18] =	ssyncadd.s32 @!p0 $0xFFFF4000;
	s18 =	sadd.s32 $0x180, s17  }
.LBB2_7:
0xa1: {  	s20 =	sshll.u32 s19, $0x4  }
0xa2: {  	s21 =	sadd.s32 s18, s20  }
0xa3: {  	s20 =	sand.u32 $0x70, s20;
	s21 =	sand.u32 $0x1FF80, s21  }
0xa4: {  	s20 =	sor.u32 s20, s21  }
0xa5: {  	v1 =	vld [tilespmem:s20+$0x380];
	_ =	sdelay $0x2  }
0xa6: {  	s22 =	simm.s32 $0x1  }
0xa7: {  	s23 =	simm.s32 $0x2;
	v34 =	vadd.s32 s22, v0  }
0xa8: {  	s24 =	simm.s32 $0x3;
	v39 =	vadd.s32 s23, v0;
	v37 =	vand.u32 $0xF, v34;
	v9 =	vshll.u32 v1, $0x7  }
0xa9: {  	s25 =	simm.s32 $0x0;
	v35 =	vadd.s32 s24, v0;
	v36 =	vand.u32 $0xF, v39;
	v1 =	vor.u32 v9, v37  }
0xaa: {  	v38 =	vadd.s32 s25, v0;
	v40 =	vand.u32 $0xF, v35;
	v12 =	vor.u32 v9, v36  }
0xab: {  	v41 =	vand.u32 $0xF, v38;
	v13 =	vor.u32 v9, v40  }
0xac: {  	s26 =	sshll.u32 s19, $0xB;
	v14 =	vor.u32 v9, v41  }
0xad: {  	v2 =	vld [tilespmem:$0x1FFE0];
	v10 =	vor.u32 s26, v3  }
0xae: {  	v15 =	vor.u32 v10, v37;
	v1 =	vld.idx.msk [tilespmem:v1+s5+$0x0], $0xffff  }
0xaf: {  	v17 =	vor.u32 v10, v36;
	v12 =	vld.idx.msk [tilespmem:v12+s5+$0x0], $0xffff  }
0xb0: {  	v20 =	vor.u32 v10, v40;
	v11 =	vor.u32 $0x10, v9;
	v19 =	vld.idx.msk [tilespmem:v13+s5+$0x0], $0xffff  }
0xb1: {  	v23 =	vor.u32 v10, v41;
	v16 =	vor.u32 v11, v34;
	v22 =	vld.idx.msk [tilespmem:v14+s5+$0x0], $0xffff;
	_ =	sdelay $0x1  }
0xb2: {  	v18 =	vor.u32 v11, v39;
	[tilespmem:v15+s12+$0x0] =	vst.idx.msk $0xffff, v1  }
0xb3: {  	[tilespmem:v17+s12+$0x0] =	vst.idx.msk $0xffff, v12  }
0xb4: {  	v21 =	vor.u32 v11, v35;
	[tilespmem:v20+s12+$0x0] =	vst.idx.msk $0xffff, v19  }
0xb5: {  	v13 =	vor.u32 s26, v2;
	v1 =	vor.u32 v11, v38;
	[tilespmem:v23+s12+$0x0] =	vst.idx.msk $0xffff, v22;
	v15 =	vld.idx.msk [tilespmem:v16+s5+$0x0], $0xffff  }
0xb6: {  	v14 =	vor.u32 $0x20, v9;
	v16 =	vor.u32 v13, v34;
	v2 =	vld [tilespmem:$0x1FFF0]  }
0xb7: {  	v12 =	vor.u32 v14, v37;
	v17 =	vld.idx.msk [tilespmem:v18+s5+$0x0], $0xffff;
	v18 =	vor.u32 v13, v39  }
0xb8: {  	v19 =	vor.u32 v14, v36  }
0xb9: {  	v24 =	vor.u32 v13, v35;
	v21 =	vld.idx.msk [tilespmem:v21+s5+$0x0], $0xffff  }
0xba: {  	v25 =	vor.u32 v13, v38;
	v22 =	vor.u32 v14, v40;
	v1 =	vld.idx.msk [tilespmem:v1+s5+$0x0], $0xffff  }
0xbb: {  	v20 =	vor.u32 s26, v2;
	[tilespmem:v16+s12+$0x0] =	vst.idx.msk $0xffff, v15;
	v15 =	vor.u32 v14, v41  }
0xbc: {  	v23 =	vor.u32 $0x30, v9;
	[tilespmem:v18+s12+$0x0] =	vst.idx.msk $0xffff, v17;
	v12 =	vld.idx.msk [tilespmem:v12+s5+$0x0], $0xffff;
	v16 =	vor.u32 v20, v37  }
0xbd: {  	v17 =	vor.u32 v23, v34;
	v18 =	vld.idx.msk [tilespmem:v19+s5+$0x0], $0xffff;
	v19 =	vor.u32 v20, v36  }
0xbe: {  	v28 =	vor.u32 s26, v4;
	v27 =	vor.u32 s26, v5;
	[tilespmem:v24+s12+$0x0] =	vst.idx.msk $0xffff, v21;
	v21 =	vor.u32 v23, v39  }
0xbf: {  	v32 =	vor.u32 v28, v34;
	v22 =	vld.idx.msk [tilespmem:v22+s5+$0x0], $0xffff;
	v24 =	vor.u32 v20, v40;
	[tilespmem:v25+s12+$0x0] =	vst.idx.msk $0xffff, v1  }
0xc0: {  	v42 =	vor.u32 v28, v39;
	v1 =	vor.u32 v23, v35;
	v25 =	vor.u32 v20, v41;
	v15 =	vld.idx.msk [tilespmem:v15+s5+$0x0], $0xffff  }
0xc1: {  	v47 =	vor.u32 v27, v37;
	v29 =	vor.u32 v23, v38;
	[tilespmem:v16+s12+$0x0] =	vst.idx.msk $0xffff, v12  }
0xc2: {  	s28 =	simm.s32 $0x4;
	v50 =	vor.u32 v27, v36;
	v30 =	vor.u32 $0x40, v9;
	[tilespmem:v19+s12+$0x0] =	vst.idx.msk $0xffff, v18;
	v31 =	vld.idx.msk [tilespmem:v17+s5+$0x0], $0xffff  }
0xc3: {  	v53 =	vor.u32 v27, v40;
	v33 =	vor.u32 v30, v37;
	v12 =	vadd.s32 s28, v0;
	v21 =	vld.idx.msk [tilespmem:v21+s5+$0x0], $0xffff  }
0xc4: {  	s29 =	simm.s32 $0x5;
	v43 =	vor.u32 v30, v36;
	[tilespmem:v24+s12+$0x0] =	vst.idx.msk $0xffff, v22;
	v22 =	vor.u32 v28, v35;
	v19 =	vand.u32 $0xF, v12  }
0xc5: {  	s30 =	simm.s32 $0x6;
	v46 =	vor.u32 v9, v19;
	v1 =	vld.idx.msk [tilespmem:v1+s5+$0x0], $0xffff;
	[tilespmem:v25+s12+$0x0] =	vst.idx.msk $0xffff, v15;
	v15 =	vadd.s32 s29, v0  }
0xc6: {  	v44 =	vor.u32 v30, v40;
	v25 =	vadd.s32 s30, v0;
	v45 =	vld.idx.msk [tilespmem:v29+s5+$0x0], $0xffff;
	v29 =	vand.u32 $0xF, v15  }
0xc7: {  	v26 =	vor.u32 $0x50, v9;
	[tilespmem:v32+s12+$0x0] =	vst.idx.msk $0xffff, v31;
	v48 =	vor.u32 v9, v29;
	v32 =	vand.u32 $0xF, v25  }
0xc8: {  	s31 =	simm.s32 $0x7;
	v49 =	vor.u32 v26, v34;
	[tilespmem:v42+s12+$0x0] =	vst.idx.msk $0xffff, v21;
	v33 =	vld.idx.msk [tilespmem:v33+s5+$0x0], $0xffff;
	v62 =	vor.u32 v9, v32  }
0xc9: {  	v51 =	vor.u32 v26, v39;
	v63 =	vor.u32 v26, v35;
	v21 =	vadd.s32 s31, v0;
	v43 =	vld.idx.msk [tilespmem:v43+s5+$0x0], $0xffff  }
0xca: {  	v18 =	vor.u32 s26, v6;
	v31 =	vand.u32 $0xF, v21;
	v46 =	vld.idx.msk [tilespmem:v46+s5+$0x0], $0xffff;
	[tilespmem:v22+s12+$0x0] =	vst.idx.msk $0xffff, v1;
	v1 =	vor.u32 v28, v38  }
0xcb: {  	v16 =	vor.u32 $0x60, v9;
	v54 =	vor.u32 v10, v19;
	v52 =	vor.u32 v9, v31;
	v44 =	vld.idx.msk [tilespmem:v44+s5+$0x0], $0xffff  }
0xcc: {  	v24 =	vor.u32 $0x70, v9;
	v55 =	vor.u32 v11, v12;
	v57 =	vor.u32 v18, v34;
	v48 =	vld.idx.msk [tilespmem:v48+s5+$0x0], $0xffff  }
0xcd: {  	v60 =	vor.u32 v18, v39;
	v56 =	vor.u32 v10, v29;
	[tilespmem:v47+s12+$0x0] =	vst.idx.msk $0xffff, v33;
	v42 =	vld.idx.msk [tilespmem:v62+s5+$0x0], $0xffff  }
0xce: {  	v58 =	vor.u32 v11, v15;
	v59 =	vor.u32 v14, v29;
	[tilespmem:v50+s12+$0x0] =	vst.idx.msk $0xffff, v43;
	v49 =	vld.idx.msk [tilespmem:v49+s5+$0x0], $0xffff  }
0xcf: {  	v43 =	vor.u32 v30, v41;
	v50 =	vor.u32 v10, v32;
	[tilespmem:v1+s12+$0x0] =	vst.idx.msk $0xffff, v45;
	v1 =	vld.idx.msk [tilespmem:v51+s5+$0x0], $0xffff  }
0xd0: {  	v17 =	vor.u32 s26, v7;
	v22 =	vor.u32 s26, v8;
	[tilespmem:v54+s12+$0x0] =	vst.idx.msk $0xffff, v46;
	v45 =	vor.u32 v11, v25;
	v51 =	vld.idx.msk [tilespmem:v52+s5+$0x0], $0xffff  }
0xd1: {  	v61 =	vor.u32 v10, v31;
	v62 =	vor.u32 v16, v36;
	v54 =	vld.idx.msk [tilespmem:v55+s5+$0x0], $0xffff;
	[tilespmem:v53+s12+$0x0] =	vst.idx.msk $0xffff, v44  }
0xd2: {  	v55 =	vor.u32 v13, v12;
	v47 =	vld.idx.msk [tilespmem:v63+s5+$0x0], $0xffff;
	v63 =	vor.u32 v11, v21;
	[tilespmem:v56+s12+$0x0] =	vst.idx.msk $0xffff, v48  }
0xd3: {  	v56 =	vld.idx.msk [tilespmem:v58+s5+$0x0], $0xffff;
	v58 =	vor.u32 v13, v15;
	[tilespmem:v57+s12+$0x0] =	vst.idx.msk $0xffff, v49;
	v49 =	vor.u32 v16, v37  }
0xd4: {  	v33 =	vor.u32 v28, v21;
	[tilespmem:v50+s12+$0x0] =	vst.idx.msk $0xffff, v42;
	v43 =	vld.idx.msk [tilespmem:v43+s5+$0x0], $0xffff;
	v57 =	vor.u32 v14, v19  }
0xd5: {  	v52 =	vor.u32 v18, v38;
	v50 =	vor.u32 v27, v41;
	v45 =	vld.idx.msk [tilespmem:v45+s5+$0x0], $0xffff;
	[tilespmem:v60+s12+$0x0] =	vst.idx.msk $0xffff, v1  }
0xd6: {  	v53 =	vor.u32 v26, v38;
	v1 =	vor.u32 v13, v25;
	[tilespmem:v61+s12+$0x0] =	vst.idx.msk $0xffff, v51;
	v46 =	vld.idx.msk [tilespmem:v62+s5+$0x0], $0xffff  }
0xd7: {  	v51 =	vor.u32 v14, v32;
	[tilespmem:v55+s12+$0x0] =	vst.idx.msk $0xffff, v54;
	v54 =	vor.u32 v13, v21;
	v48 =	vld.idx.msk [tilespmem:v63+s5+$0x0], $0xffff  }
0xd8: {  	v60 =	vor.u32 v18, v35;
	[tilespmem:v58+s12+$0x0] =	vst.idx.msk $0xffff, v56;
	v56 =	vor.u32 v14, v31;
	v42 =	vld.idx.msk [tilespmem:v49+s5+$0x0], $0xffff  }
0xd9: {  	v44 =	vor.u32 v16, v41;
	v49 =	vor.u32 v16, v40;
	v55 =	vld.idx.msk [tilespmem:v57+s5+$0x0], $0xffff;
	v57 =	vor.u32 v17, v36  }
0xda: {  	v58 =	vor.u32 v20, v19;
	[tilespmem:v50+s12+$0x0] =	vst.idx.msk $0xffff, v43;
	v43 =	vor.u32 v24, v39;
	v59 =	vld.idx.msk [tilespmem:v59+s5+$0x0], $0xffff  }
0xdb: {  	v61 =	vor.u32 v20, v29;
	v50 =	vor.u32 v23, v12;
	[tilespmem:v1+s12+$0x0] =	vst.idx.msk $0xffff, v45;
	v1 =	vld.idx.msk [tilespmem:v53+s5+$0x0], $0xffff  }
0xdc: {  	v41 =	vor.u32 v17, v41;
	v45 =	vor.u32 v23, v15;
	v51 =	vld.idx.msk [tilespmem:v51+s5+$0x0], $0xffff;
	[tilespmem:v54+s12+$0x0] =	vst.idx.msk $0xffff, v48  }
0xdd: {  	v62 =	vor.u32 v23, v21;
	[tilespmem:v60+s12+$0x0] =	vst.idx.msk $0xffff, v47;
	v47 =	vor.u32 v20, v32;
	v56 =	vld.idx.msk [tilespmem:v56+s5+$0x0], $0xffff  }
0xde: {  	v53 =	vor.u32 v23, v25;
	v54 =	vor.u32 v17, v40;
	v49 =	vld.idx.msk [tilespmem:v49+s5+$0x0], $0xffff;
	[tilespmem:v57+s12+$0x0] =	vst.idx.msk $0xffff, v46  }
0xdf: {  	v60 =	vor.u32 v24, v35;
	[tilespmem:v58+s12+$0x0] =	vst.idx.msk $0xffff, v55;
	v55 =	vor.u32 v20, v31;
	v43 =	vld.idx.msk [tilespmem:v43+s5+$0x0], $0xffff  }
0xe0: {  	v63 =	vor.u32 v22, v39;
	v39 =	vor.u32 v17, v37;
	[tilespmem:v61+s12+$0x0] =	vst.idx.msk $0xffff, v59;
	v40 =	vld.idx.msk [tilespmem:v50+s5+$0x0], $0xffff  }
0xe1: {  	v37 =	vor.u32 v22, v38;
	v36 =	vor.u32 v22, v34;
	[tilespmem:v52+s12+$0x0] =	vst.idx.msk $0xffff, v1;
	v50 =	vld.idx.msk [tilespmem:v45+s5+$0x0], $0xffff  }
0xe2: {  	v48 =	vor.u32 v24, v34;
	v52 =	vor.u32 v28, v15;
	[tilespmem:v47+s12+$0x0] =	vst.idx.msk $0xffff, v51;
	v46 =	vld.idx.msk [tilespmem:v44+s5+$0x0], $0xffff  }
0xe3: {  	v45 =	vor.u32 v24, v38;
	v51 =	vor.u32 v30, v29;
	v53 =	vld.idx.msk [tilespmem:v53+s5+$0x0], $0xffff;
	[tilespmem:v54+s12+$0x0] =	vst.idx.msk $0xffff, v49  }
0xe4: {  	v44 =	vor.u32 v22, v35;
	v54 =	vor.u32 v28, v25;
	[tilespmem:v55+s12+$0x0] =	vst.idx.msk $0xffff, v56;
	v47 =	vld.idx.msk [tilespmem:v60+s5+$0x0], $0xffff  }
0xe5: {  	s20 =	simm.s32 $0x8;
	v49 =	vor.u32 v26, v15;
	v56 =	vor.u32 v30, v32;
	v55 =	vld.idx.msk [tilespmem:v62+s5+$0x0], $0xffff;
	[tilespmem:v63+s12+$0x0] =	vst.idx.msk $0xffff, v43  }
.LBB2_8:
0xe6: {  	s21 =	sadd.s32 $0x1, s20;
	v1 =	vor.u32 v27, v29;
	v57 =	vor.u32 v27, v32;
	v34 =	vmov v12  }
0xe7: {  	p0 =	slt.u32 s20, $0xC;
	[tilespmem:v39+s12+$0x0] =	vst.idx.msk $0xffff, v42;
	v12 =	vadd.s32 s20, v0;
	v43 =	vmovc v19;
	v35 =	vmovc v15;
	v38 =	vmov v29;
	v39 =	vmov v25;
	s22 =	smov.u32 s20;
	s20 =	sadd.s32 $0x4, s20  }
0xe8: {  	v42 =	vor.u32 v30, v31;
	v19 =	vand.u32 $0xF, v12;
	v15 =	vadd.s32 s21, v0;
	s21 =	sadd.s32 $0x2, s22;
	[tilespmem:v52+s12+$0x0] =	vst.idx.msk $0xffff, v50;
	v48 =	vld.idx.msk [tilespmem:v48+s5+$0x0], $0xffff  }
0xe9: {  	v50 =	vor.u32 v9, v19;
	v29 =	vand.u32 $0xF, v15;
	v25 =	vadd.s32 s21, v0;
	s21 =	sadd.s32 $0x3, s22;
	v51 =	vld.idx.msk [tilespmem:v51+s5+$0x0], $0xffff;
	[tilespmem:v41+s12+$0x0] =	vst.idx.msk $0xffff, v46  }
0xea: {  	v41 =	vor.u32 v9, v29;
	v46 =	vand.u32 $0xF, v25;
	v52 =	vadd.s32 s21, v0;
	[tilespmem:v54+s12+$0x0] =	vst.idx.msk $0xffff, v53;
	v45 =	vld.idx.msk [tilespmem:v45+s5+$0x0], $0xffff  }
0xeb: {  	v53 =	vor.u32 v9, v46;
	v54 =	vand.u32 $0xF, v52;
	v56 =	vld.idx.msk [tilespmem:v56+s5+$0x0], $0xffff;
	[tilespmem:v44+s12+$0x0] =	vst.idx.msk $0xffff, v47;
	v47 =	vmov v32  }
0xec: {  	v32 =	vmov v46;
	v58 =	vor.u32 v9, v54;
	[tilespmem:v33+s12+$0x0] =	vst.idx.msk $0xffff, v55;
	v33 =	vor.u32 v28, v52  }
0xed: {  	v46 =	vor.u32 v28, v34;
	v44 =	vmovc v21;
	v21 =	vmov v52;
	v55 =	vor.u32 v26, v39;
	v42 =	vld.idx.msk [tilespmem:v42+s5+$0x0], $0xffff  }
0xee: {  	v59 =	vor.u32 v27, v31;
	v52 =	vor.u32 v18, v35;
	v50 =	vld.idx.msk [tilespmem:v50+s5+$0x0], $0xffff;
	[tilespmem:v36+s12+$0x0] =	vst.idx.msk $0xffff, v48  }
0xef: {  	v36 =	vor.u32 v10, v19;
	v41 =	vld.idx.msk [tilespmem:v41+s5+$0x0], $0xffff;
	[tilespmem:v1+s12+$0x0] =	vst.idx.msk $0xffff, v51;
	v1 =	vor.u32 v26, v44  }
0xf0: {  	v48 =	vor.u32 v11, v12;
	v51 =	vor.u32 v10, v29;
	v49 =	vld.idx.msk [tilespmem:v49+s5+$0x0], $0xffff;
	[tilespmem:v37+s12+$0x0] =	vst.idx.msk $0xffff, v45  }
0xf1: {  	v37 =	vor.u32 v11, v15;
	v45 =	vld.idx.msk [tilespmem:v53+s5+$0x0], $0xffff;
	v53 =	vor.u32 v30, v43;
	[tilespmem:v57+s12+$0x0] =	vst.idx.msk $0xffff, v56  }
0xf2: {  	v56 =	vor.u32 v10, v32;
	[tilespmem:v46+s12+$0x0] =	vst.idx.msk $0xffff, v40;
	v40 =	vor.u32 v26, v34;
	v46 =	vld.idx.msk [tilespmem:v55+s5+$0x0], $0xffff  }
0xf3: {  	v55 =	vor.u32 v11, v25;
	v57 =	vld.idx.msk [tilespmem:v58+s5+$0x0], $0xffff;
	v58 =	vor.u32 v18, v39;
	[tilespmem:v59+s12+$0x0] =	vst.idx.msk $0xffff, v42  }
0xf4: {  	v42 =	vor.u32 v16, v47;
	[tilespmem:v36+s12+$0x0] =	vst.idx.msk $0xffff, v50;
	v36 =	vor.u32 v10, v54;
	v1 =	vld.idx.msk [tilespmem:v1+s5+$0x0], $0xffff  }
0xf5: {  	v50 =	vor.u32 v27, v43;
	v48 =	vld.idx.msk [tilespmem:v48+s5+$0x0], $0xffff;
	[tilespmem:v51+s12+$0x0] =	vst.idx.msk $0xffff, v41;
	v41 =	vor.u32 v11, v21  }
0xf6: {  	v51 =	vor.u32 v13, v12;
	v37 =	vld.idx.msk [tilespmem:v37+s5+$0x0], $0xffff;
	[tilespmem:v52+s12+$0x0] =	vst.idx.msk $0xffff, v49;
	v49 =	vor.u32 v16, v38  }
0xf7: {  	v59 =	vor.u32 v13, v15;
	v52 =	vor.u32 v14, v19;
	[tilespmem:v56+s12+$0x0] =	vst.idx.msk $0xffff, v45;
	v45 =	vld.idx.msk [tilespmem:v53+s5+$0x0], $0xffff  }
0xf8: {  	v53 =	vor.u32 v14, v29;
	v55 =	vld.idx.msk [tilespmem:v55+s5+$0x0], $0xffff;
	[tilespmem:v58+s12+$0x0] =	vst.idx.msk $0xffff, v46;
	v46 =	vmov v31;
	v31 =	vmov v54  }
0xf9: {  	v56 =	vor.u32 v16, v43;
	v54 =	vor.u32 v13, v25;
	[tilespmem:v36+s12+$0x0] =	vst.idx.msk $0xffff, v57;
	v57 =	vld.idx.msk [tilespmem:v42+s5+$0x0], $0xffff  }
0xfa: {  	v60 =	vor.u32 v18, v44;
	v58 =	vor.u32 v18, v34;
	v36 =	vor.u32 v14, v32;
	v41 =	vld.idx.msk [tilespmem:v41+s5+$0x0], $0xffff  }
0xfb: {  	[tilespmem:v51+s12+$0x0] =	vst.idx.msk $0xffff, v48;
	v48 =	vor.u32 v13, v21;
	v42 =	vld.idx.msk [tilespmem:v49+s5+$0x0], $0xffff;
	v49 =	vor.u32 v16, v46  }
0xfc: {  	v47 =	vor.u32 v17, v47;
	v51 =	vld.idx.msk [tilespmem:v52+s5+$0x0], $0xffff;
	[tilespmem:v59+s12+$0x0] =	vst.idx.msk $0xffff, v37;
	v37 =	vor.u32 v14, v31  }
0xfd: {  	v52 =	vor.u32 v20, v19;
	v53 =	vld.idx.msk [tilespmem:v53+s5+$0x0], $0xffff;
	[tilespmem:v50+s12+$0x0] =	vst.idx.msk $0xffff, v45;
	v45 =	vor.u32 v24, v39  }
0xfe: {  	v59 =	vor.u32 v20, v29;
	v50 =	vor.u32 v23, v12;
	[tilespmem:v54+s12+$0x0] =	vst.idx.msk $0xffff, v55;
	v54 =	vld.idx.msk [tilespmem:v40+s5+$0x0], $0xffff  }
0xff: {  	v55 =	vor.u32 v23, v15;
	v61 =	vld.idx.msk [tilespmem:v36+s5+$0x0], $0xffff;
	v36 =	vor.u32 v22, v35;
	[tilespmem:v60+s12+$0x0] =	vst.idx.msk $0xffff, v1  }
0x100: {  	v1 =	vor.u32 v20, v32;
	[tilespmem:v48+s12+$0x0] =	vst.idx.msk $0xffff, v41;
	v41 =	vor.u32 v17, v43;
	v43 =	vld.idx.msk [tilespmem:v49+s5+$0x0], $0xffff  }
0x101: {  	v49 =	vor.u32 v23, v25;
	v60 =	vld.idx.msk [tilespmem:v37+s5+$0x0], $0xffff;
	[tilespmem:v47+s12+$0x0] =	vst.idx.msk $0xffff, v57;
	v47 =	vor.u32 v17, v46  }
0x102: {  	v63 =	vor.u32 v24, v44;
	v57 =	vor.u32 v20, v31;
	[tilespmem:v52+s12+$0x0] =	vst.idx.msk $0xffff, v51;
	v62 =	vld.idx.msk [tilespmem:v45+s5+$0x0], $0xffff  }
0x103: {  	v2 =	vor.u32 v22, v39;
	v40 =	vld.idx.msk [tilespmem:v50+s5+$0x0], $0xffff;
	[tilespmem:v59+s12+$0x0] =	vst.idx.msk $0xffff, v53;
	v59 =	vor.u32 v23, v21  }
.Ltmp2:
0x104: {  	v39 =	vor.u32 v17, v38;
	v45 =	vor.u32 v24, v34;
	v50 =	vld.idx.msk [tilespmem:v55+s5+$0x0], $0xffff;
	[tilespmem:v58+s12+$0x0] =	vst.idx.msk $0xffff, v54;
	(pc) =	sbr.rel @p0 .LBB2_8-.Ltmp2, $4  }
0x105: {  	v48 =	vor.u32 v24, v35;
	v52 =	vor.u32 v28, v15;
	[tilespmem:v1+s12+$0x0] =	vst.idx.msk $0xffff, v61;
	v46 =	vld.idx.msk [tilespmem:v56+s5+$0x0], $0xffff  }
0x106: {  	v37 =	vor.u32 v22, v34;
	v51 =	vor.u32 v30, v29;
	v53 =	vld.idx.msk [tilespmem:v49+s5+$0x0], $0xffff;
	[tilespmem:v47+s12+$0x0] =	vst.idx.msk $0xffff, v43  }
0x107: {  	v44 =	vor.u32 v22, v44;
	v54 =	vor.u32 v28, v25;
	[tilespmem:v57+s12+$0x0] =	vst.idx.msk $0xffff, v60;
	v47 =	vld.idx.msk [tilespmem:v63+s5+$0x0], $0xffff  }
0x108: {  	v56 =	vor.u32 v30, v32;
	v49 =	vor.u32 v26, v15;
	v55 =	vld.idx.msk [tilespmem:v59+s5+$0x0], $0xffff;
	[tilespmem:v2+s12+$0x0] =	vst.idx.msk $0xffff, v62  }
0x109: {  	_ = 	snop  }
0x10a: {  	v1 =	vor.u32 v30, v31  }
0x10b: {  	v2 =	vor.u32 v28, v12  }
0x10c: {  	v9 =	vor.u32 v30, v19  }
0x10d: {  	[tilespmem:v54+s12+$0x0] =	vst.idx.msk $0xffff, v53  }
0x10e: {  	v10 =	vor.u32 v27, v32;
	v11 =	vld.idx.msk [tilespmem:v56+s5+$0x0], $0xffff;
	[tilespmem:v33+s12+$0x0] =	vst.idx.msk $0xffff, v55  }
0x10f: {  	[tilespmem:v52+s12+$0x0] =	vst.idx.msk $0xffff, v50;
	v13 =	vor.u32 v26, v25;
	v14 =	vor.u32 v27, v31;
	v1 =	vld.idx.msk [tilespmem:v1+s5+$0x0], $0xffff  }
0x110: {  	v20 =	vor.u32 v27, v29;
	v35 =	vor.u32 v26, v21;
	v23 =	vld.idx.msk [tilespmem:v51+s5+$0x0], $0xffff;
	[tilespmem:v2+s12+$0x0] =	vst.idx.msk $0xffff, v40  }
0x111: {  	v2 =	vor.u32 v27, v19;
	v9 =	vld.idx.msk [tilespmem:v9+s5+$0x0], $0xffff  }
0x112: {  	v38 =	vor.u32 v26, v12  }
0x113: {  	[tilespmem:v10+s12+$0x0] =	vst.idx.msk $0xffff, v11  }
0x114: {  	v11 =	vor.u32 v18, v25;
	v10 =	vld.idx.msk [tilespmem:v13+s5+$0x0], $0xffff;
	[tilespmem:v14+s12+$0x0] =	vst.idx.msk $0xffff, v1  }
0x115: {  	v43 =	vor.u32 v18, v21;
	[tilespmem:v20+s12+$0x0] =	vst.idx.msk $0xffff, v23;
	v1 =	vor.u32 v16, v32;
	v40 =	vld.idx.msk [tilespmem:v35+s5+$0x0], $0xffff  }
0x116: {  	v50 =	vor.u32 v18, v15;
	v51 =	vor.u32 v16, v31;
	v23 =	vld.idx.msk [tilespmem:v49+s5+$0x0], $0xffff;
	[tilespmem:v2+s12+$0x0] =	vst.idx.msk $0xffff, v9  }
0x117: {  	v2 =	vor.u32 v16, v29;
	v9 =	vor.u32 v18, v12;
	v52 =	vld.idx.msk [tilespmem:v38+s5+$0x0], $0xffff  }
0x118: {  	[tilespmem:v39+s12+$0x0] =	vst.idx.msk $0xffff, v42;
	v53 =	vor.u32 v16, v19  }
0x119: {  	[tilespmem:v11+s12+$0x0] =	vst.idx.msk $0xffff, v10  }
0x11a: {  	v10 =	vor.u32 v17, v32;
	v1 =	vld.idx.msk [tilespmem:v1+s5+$0x0], $0xffff;
	[tilespmem:v43+s12+$0x0] =	vst.idx.msk $0xffff, v40  }
0x11b: {  	v54 =	vor.u32 v17, v31;
	[tilespmem:v50+s12+$0x0] =	vst.idx.msk $0xffff, v23;
	v11 =	vor.u32 v24, v25;
	v13 =	vld.idx.msk [tilespmem:v51+s5+$0x0], $0xffff  }
0x11c: {  	v55 =	vor.u32 v24, v21;
	v2 =	vld.idx.msk [tilespmem:v2+s5+$0x0], $0xffff;
	[tilespmem:v9+s12+$0x0] =	vst.idx.msk $0xffff, v52;
	v9 =	vor.u32 v17, v29  }
0x11d: {  	v57 =	vor.u32 v24, v15;
	[tilespmem:v41+s12+$0x0] =	vst.idx.msk $0xffff, v46;
	v56 =	vor.u32 v17, v19;
	v16 =	vld.idx.msk [tilespmem:v53+s5+$0x0], $0xffff  }
0x11e: {  	v59 =	vor.u32 v24, v12;
	v58 =	vld.idx.msk [tilespmem:v48+s5+$0x0], $0xffff;
	[tilespmem:v44+s12+$0x0] =	vst.idx.msk $0xffff, v47  }
0x11f: {  	v60 =	vld.idx.msk [tilespmem:v45+s5+$0x0], $0xffff;
	[tilespmem:v10+s12+$0x0] =	vst.idx.msk $0xffff, v1  }
0x120: {  	v10 =	vor.u32 v22, v25;
	v1 =	vld.idx.msk [tilespmem:v11+s5+$0x0], $0xffff;
	[tilespmem:v54+s12+$0x0] =	vst.idx.msk $0xffff, v13  }
0x121: {  	v61 =	vor.u32 v22, v21;
	[tilespmem:v9+s12+$0x0] =	vst.idx.msk $0xffff, v2;
	v11 =	vld.idx.msk [tilespmem:v55+s5+$0x0], $0xffff  }
0x122: {  	s19 =	sadd.s32 $0x1, s19;
	v2 =	vor.u32 v22, v15;
	v9 =	vld.idx.msk [tilespmem:v57+s5+$0x0], $0xffff;
	[tilespmem:v56+s12+$0x0] =	vst.idx.msk $0xffff, v16  }
0x123: {  	v62 =	vor.u32 v22, v12;
	p0 =	sne.s32 s19, $0x18;
	[tilespmem:v36+s12+$0x0] =	vst.idx.msk $0xffff, v58;
	v63 =	vld.idx.msk [tilespmem:v59+s5+$0x0], $0xffff  }
.Ltmp3:
0x124: {  	[tilespmem:v37+s12+$0x0] =	vst.idx.msk $0xffff, v60;
	(pc) =	sbr.rel @p0 .LBB2_7-.Ltmp3, $4  }
0x125: {  	[tilespmem:v10+s12+$0x0] =	vst.idx.msk $0xffff, v1  }
0x126: {  	[tilespmem:v61+s12+$0x0] =	vst.idx.msk $0xffff, v11  }
0x127: {  	[tilespmem:v2+s12+$0x0] =	vst.idx.msk $0xffff, v9  }
0x128: {  	[tilespmem:v62+s12+$0x0] =	vst.idx.msk $0xffff, v63  }
0x129: {  	s18 =	sadd.s32 s4, s18  }
0x12a: {  	s18 =	sshll.u32 s18, $0x4  }
0x12b: {  	s18 =	sand.u32 $0x1FFFF800, s18  }
0x12c: {  	s19 =	sadd.s32 s3, s18;
	s18 =	simm.s32 $0x0  }
0x12d: {  	[hbm4b:s19+s18] =	stream.linear.scatter [tilespmem:s12], [sflag:$0x2], $0xC000, $0x38;
	[tilespmem:$0x1E800] =	vst v63  }
0x12e: {  	_ =	swait.ge [sflag:s13], $0xC000  }
0x12f: {  	[sflag:s13] =	ssyncset.done $0x0  }
0x130: {  	s17 =	sadd.s32 $0x300, s17;
	s19 =	simm.s32 $0x0;
	[sflag:s13] =	ssyncadd.s32 $0xFFFF4000  }
.LBB2_11:
0x131: {  	s20 =	sshll.u32 s19, $0x4  }
0x132: {  	s21 =	sadd.s32 s17, s20  }
0x133: {  	s20 =	sand.u32 $0x70, s20;
	s21 =	sand.u32 $0x3FF80, s21  }
0x134: {  	s20 =	sor.u32 s20, s21  }
0x135: {  	v1 =	vld [tilespmem:s20+$0x380];
	_ =	sdelay $0x2  }
0x136: {  	s23 =	simm.s32 $0x1  }
0x137: {  	s24 =	simm.s32 $0x2;
	v35 =	vadd.s32 s23, v0  }
0x138: {  	s25 =	simm.s32 $0x3;
	v39 =	vadd.s32 s24, v0;
	v37 =	vand.u32 $0xF, v35;
	v9 =	vshll.u32 v1, $0x7  }
0x139: {  	v36 =	vadd.s32 s25, v0;
	v34 =	vand.u32 $0xF, v39;
	v1 =	vor.u32 v9, v37  }
0x13a: {  	v38 =	vadd.s32 s18, v0;
	v40 =	vand.u32 $0xF, v36;
	v2 =	vor.u32 v9, v34  }
0x13b: {  	v41 =	vand.u32 $0xF, v38;
	v12 =	vor.u32 v9, v40  }
0x13c: {  	s26 =	sshll.u32 s19, $0xB;
	v14 =	vor.u32 v9, v41  }
0x13d: {  	v13 =	vld [tilespmem:$0x1FFE0];
	v10 =	vor.u32 s26, v3  }
0x13e: {  	v15 =	vor.u32 v10, v37;
	v1 =	vld.idx.msk [tilespmem:v1+s5+$0x0], $0xffff  }
0x13f: {  	v17 =	vor.u32 v10, v34;
	v11 =	vor.u32 $0x10, v9;
	v2 =	vld.idx.msk [tilespmem:v2+s5+$0x0], $0xffff  }
0x140: {  	v19 =	vor.u32 v10, v40;
	v16 =	vor.u32 v11, v35;
	v12 =	vld.idx.msk [tilespmem:v12+s5+$0x0], $0xffff  }
0x141: {  	v22 =	vor.u32 v10, v41;
	v20 =	vor.u32 v11, v36;
	v21 =	vld.idx.msk [tilespmem:v14+s5+$0x0], $0xffff;
	_ =	sdelay $0x1  }
0x142: {  	[tilespmem:v15+s11+$0x0] =	vst.idx.msk $0xffff, v1  }
0x143: {  	v18 =	vor.u32 v11, v39;
	[tilespmem:v17+s11+$0x0] =	vst.idx.msk $0xffff, v2  }
0x144: {  	[tilespmem:v19+s11+$0x0] =	vst.idx.msk $0xffff, v12;
	v15 =	vld.idx.msk [tilespmem:v16+s5+$0x0], $0xffff  }
0x145: {  	v13 =	vor.u32 s26, v13;
	[tilespmem:v22+s11+$0x0] =	vst.idx.msk $0xffff, v21;
	v19 =	vld.idx.msk [tilespmem:v20+s5+$0x0], $0xffff  }
0x146: {  	v14 =	vor.u32 $0x20, v9;
	v1 =	vor.u32 v11, v38;
	v16 =	vor.u32 v13, v35;
	v20 =	vld [tilespmem:$0x1FFF0]  }
0x147: {  	v2 =	vor.u32 v14, v37  }
0x148: {  	v17 =	vld.idx.msk [tilespmem:v18+s5+$0x0], $0xffff;
	v18 =	vor.u32 v13, v39  }
0x149: {  	v12 =	vor.u32 v14, v34  }
0x14a: {  	v24 =	vor.u32 v13, v36;
	v21 =	vor.u32 v14, v40  }
0x14b: {  	v22 =	vor.u32 v13, v38;
	v1 =	vld.idx.msk [tilespmem:v1+s5+$0x0], $0xffff;
	v20 =	vor.u32 s26, v20;
	[tilespmem:v16+s11+$0x0] =	vst.idx.msk $0xffff, v15  }
0x14c: {  	v23 =	vor.u32 $0x30, v9;
	v15 =	vor.u32 v14, v41;
	v2 =	vld.idx.msk [tilespmem:v2+s5+$0x0], $0xffff;
	v16 =	vor.u32 v20, v37  }
0x14d: {  	[tilespmem:v18+s11+$0x0] =	vst.idx.msk $0xffff, v17;
	v17 =	vor.u32 v23, v35  }
0x14e: {  	v12 =	vld.idx.msk [tilespmem:v12+s5+$0x0], $0xffff;
	v18 =	vor.u32 v20, v34  }
0x14f: {  	v28 =	vor.u32 s26, v4;
	v27 =	vor.u32 s26, v5;
	[tilespmem:v24+s11+$0x0] =	vst.idx.msk $0xffff, v19;
	v19 =	vor.u32 v23, v39  }
0x150: {  	v29 =	vor.u32 v28, v35;
	v21 =	vld.idx.msk [tilespmem:v21+s5+$0x0], $0xffff;
	v24 =	vor.u32 v20, v40;
	[tilespmem:v22+s11+$0x0] =	vst.idx.msk $0xffff, v1  }
0x151: {  	v1 =	vor.u32 v23, v36;
	v22 =	vor.u32 v20, v41;
	v15 =	vld.idx.msk [tilespmem:v15+s5+$0x0], $0xffff;
	[tilespmem:v16+s11+$0x0] =	vst.idx.msk $0xffff, v2  }
0x152: {  	v42 =	vor.u32 v28, v39;
	v43 =	vor.u32 v28, v36;
	v30 =	vor.u32 $0x40, v9;
	v25 =	vld.idx.msk [tilespmem:v17+s5+$0x0], $0xffff  }
0x153: {  	s28 =	simm.s32 $0x4;
	v46 =	vor.u32 v27, v37;
	v31 =	vor.u32 v30, v37;
	[tilespmem:v18+s11+$0x0] =	vst.idx.msk $0xffff, v12  }
0x154: {  	v50 =	vor.u32 v27, v34;
	v2 =	vor.u32 v23, v38;
	v12 =	vadd.s32 s28, v0;
	v33 =	vld.idx.msk [tilespmem:v19+s5+$0x0], $0xffff  }
0x155: {  	s29 =	simm.s32 $0x5;
	v53 =	vor.u32 v27, v40;
	v44 =	vor.u32 v30, v34;
	[tilespmem:v24+s11+$0x0] =	vst.idx.msk $0xffff, v21;
	v19 =	vand.u32 $0xF, v12  }
0x156: {  	v45 =	vor.u32 v9, v19;
	v1 =	vld.idx.msk [tilespmem:v1+s5+$0x0], $0xffff;
	[tilespmem:v22+s11+$0x0] =	vst.idx.msk $0xffff, v15;
	v15 =	vadd.s32 s29, v0  }
0x157: {  	s30 =	simm.s32 $0x6;
	v26 =	vor.u32 $0x50, v9;
	v22 =	vor.u32 v30, v40;
	[tilespmem:v29+s11+$0x0] =	vst.idx.msk $0xffff, v25;
	v29 =	vand.u32 $0xF, v15  }
0x158: {  	v49 =	vor.u32 v26, v35;
	v25 =	vadd.s32 s30, v0;
	v47 =	vld.idx.msk [tilespmem:v31+s5+$0x0], $0xffff;
	v48 =	vor.u32 v9, v29  }
0x159: {  	s31 =	simm.s32 $0x7;
	v60 =	vor.u32 v26, v39;
	v2 =	vld.idx.msk [tilespmem:v2+s5+$0x0], $0xffff;
	[tilespmem:v42+s11+$0x0] =	vst.idx.msk $0xffff, v33;
	v32 =	vand.u32 $0xF, v25  }
0x15a: {  	v61 =	vor.u32 v26, v36;
	v21 =	vadd.s32 s31, v0;
	v44 =	vld.idx.msk [tilespmem:v44+s5+$0x0], $0xffff;
	v63 =	vor.u32 v9, v32  }
0x15b: {  	v31 =	vand.u32 $0xF, v21;
	v45 =	vld.idx.msk [tilespmem:v45+s5+$0x0], $0xffff;
	[tilespmem:v43+s11+$0x0] =	vst.idx.msk $0xffff, v1;
	v1 =	vor.u32 v28, v38  }
0x15c: {  	v18 =	vor.u32 s26, v6;
	v54 =	vor.u32 v10, v19;
	v52 =	vor.u32 v9, v31;
	v51 =	vld.idx.msk [tilespmem:v22+s5+$0x0], $0xffff  }
0x15d: {  	v16 =	vor.u32 $0x60, v9;
	v24 =	vor.u32 $0x70, v9;
	v62 =	vor.u32 v11, v12;
	v48 =	vld.idx.msk [tilespmem:v48+s5+$0x0], $0xffff;
	[tilespmem:v46+s11+$0x0] =	vst.idx.msk $0xffff, v47  }
0x15e: {  	v56 =	vor.u32 v18, v35;
	v59 =	vor.u32 v18, v36;
	v55 =	vor.u32 v10, v29;
	v49 =	vld.idx.msk [tilespmem:v49+s5+$0x0], $0xffff  }
0x15f: {  	v57 =	vor.u32 v11, v15;
	[tilespmem:v50+s11+$0x0] =	vst.idx.msk $0xffff, v44;
	v44 =	vor.u32 v30, v41;
	v42 =	vld.idx.msk [tilespmem:v63+s5+$0x0], $0xffff  }
0x160: {  	v33 =	vor.u32 v28, v21;
	v63 =	vor.u32 v10, v32;
	[tilespmem:v1+s11+$0x0] =	vst.idx.msk $0xffff, v2;
	v1 =	vld.idx.msk [tilespmem:v60+s5+$0x0], $0xffff  }
0x161: {  	[tilespmem:v54+s11+$0x0] =	vst.idx.msk $0xffff, v45;
	v2 =	vor.u32 v11, v25;
	v43 =	vld.idx.msk [tilespmem:v52+s5+$0x0], $0xffff;
	v52 =	vor.u32 v18, v39  }
0x162: {  	v45 =	vor.u32 v10, v31;
	v47 =	vld.idx.msk [tilespmem:v62+s5+$0x0], $0xffff;
	[tilespmem:v53+s11+$0x0] =	vst.idx.msk $0xffff, v51;
	v51 =	vor.u32 v16, v34  }
0x163: {  	v58 =	vor.u32 v14, v29;
	v60 =	vor.u32 v16, v37;
	v46 =	vld.idx.msk [tilespmem:v61+s5+$0x0], $0xffff;
	[tilespmem:v55+s11+$0x0] =	vst.idx.msk $0xffff, v48  }
0x164: {  	v54 =	vor.u32 v13, v12;
	v48 =	vor.u32 v11, v21;
	v44 =	vld.idx.msk [tilespmem:v44+s5+$0x0], $0xffff;
	[tilespmem:v56+s11+$0x0] =	vst.idx.msk $0xffff, v49  }
0x165: {  	v62 =	vor.u32 v13, v15;
	v61 =	vor.u32 v14, v19;
	v55 =	vld.idx.msk [tilespmem:v57+s5+$0x0], $0xffff;
	[tilespmem:v63+s11+$0x0] =	vst.idx.msk $0xffff, v42  }
0x166: {  	v17 =	vor.u32 s26, v7;
	v22 =	vor.u32 s26, v8;
	v63 =	vor.u32 v27, v41;
	[tilespmem:v52+s11+$0x0] =	vst.idx.msk $0xffff, v1;
	v2 =	vld.idx.msk [tilespmem:v2+s5+$0x0], $0xffff  }
0x167: {  	v53 =	vor.u32 v26, v38;
	v1 =	vor.u32 v13, v25;
	[tilespmem:v45+s11+$0x0] =	vst.idx.msk $0xffff, v43;
	v45 =	vld.idx.msk [tilespmem:v51+s5+$0x0], $0xffff  }
0x168: {  	v50 =	vor.u32 v23, v12;
	v43 =	vor.u32 v16, v41;
	v51 =	vor.u32 v14, v32;
	v42 =	vld.idx.msk [tilespmem:v60+s5+$0x0], $0xffff  }
0x169: {  	[tilespmem:v54+s11+$0x0] =	vst.idx.msk $0xffff, v47;
	v47 =	vor.u32 v13, v21;
	v49 =	vor.u32 v16, v40;
	v48 =	vld.idx.msk [tilespmem:v48+s5+$0x0], $0xffff  }
0x16a: {  	v56 =	vor.u32 v17, v34;
	v54 =	vld.idx.msk [tilespmem:v61+s5+$0x0], $0xffff;
	[tilespmem:v62+s11+$0x0] =	vst.idx.msk $0xffff, v55;
	v55 =	vor.u32 v14, v31  }
0x16b: {  	v57 =	vor.u32 v20, v19;
	[tilespmem:v63+s11+$0x0] =	vst.idx.msk $0xffff, v44;
	v44 =	vor.u32 v24, v39;
	v58 =	vld.idx.msk [tilespmem:v58+s5+$0x0], $0xffff  }
0x16c: {  	v52 =	vor.u32 v18, v38;
	v60 =	vor.u32 v20, v29;
	[tilespmem:v1+s11+$0x0] =	vst.idx.msk $0xffff, v2;
	v1 =	vld.idx.msk [tilespmem:v53+s5+$0x0], $0xffff  }
0x16d: {  	v34 =	vor.u32 v22, v35;
	[tilespmem:v59+s11+$0x0] =	vst.idx.msk $0xffff, v46;
	v2 =	vor.u32 v23, v15;
	v51 =	vld.idx.msk [tilespmem:v51+s5+$0x0], $0xffff  }
0x16e: {  	v41 =	vor.u32 v17, v41;
	v46 =	vor.u32 v20, v32;
	[tilespmem:v47+s11+$0x0] =	vst.idx.msk $0xffff, v48;
	v47 =	vld.idx.msk [tilespmem:v49+s5+$0x0], $0xffff  }
0x16f: {  	[tilespmem:v56+s11+$0x0] =	vst.idx.msk $0xffff, v45;
	v56 =	vor.u32 v17, v40;
	v49 =	vor.u32 v23, v25;
	v55 =	vld.idx.msk [tilespmem:v55+s5+$0x0], $0xffff  }
0x170: {  	[tilespmem:v57+s11+$0x0] =	vst.idx.msk $0xffff, v54;
	v57 =	vor.u32 v20, v31;
	v59 =	vld.idx.msk [tilespmem:v44+s5+$0x0], $0xffff;
	v44 =	vor.u32 v24, v36  }
0x171: {  	v40 =	vld.idx.msk [tilespmem:v50+s5+$0x0], $0xffff;
	[tilespmem:v60+s11+$0x0] =	vst.idx.msk $0xffff, v58;
	v58 =	vor.u32 v23, v21;
	v60 =	vor.u32 v22, v39  }
0x172: {  	v45 =	vor.u32 v24, v38;
	v54 =	vor.u32 v28, v25;
	[tilespmem:v52+s11+$0x0] =	vst.idx.msk $0xffff, v1;
	v50 =	vld.idx.msk [tilespmem:v2+s5+$0x0], $0xffff  }
0x173: {  	v48 =	vor.u32 v24, v35;
	v39 =	vor.u32 v17, v37;
	[tilespmem:v46+s11+$0x0] =	vst.idx.msk $0xffff, v51;
	v46 =	vld.idx.msk [tilespmem:v43+s5+$0x0], $0xffff  }
0x174: {  	v52 =	vor.u32 v28, v15;
	v37 =	vor.u32 v22, v38;
	v53 =	vld.idx.msk [tilespmem:v49+s5+$0x0], $0xffff;
	[tilespmem:v56+s11+$0x0] =	vst.idx.msk $0xffff, v47  }
0x175: {  	v51 =	vor.u32 v30, v29;
	v49 =	vor.u32 v26, v15;
	[tilespmem:v57+s11+$0x0] =	vst.idx.msk $0xffff, v55;
	v47 =	vld.idx.msk [tilespmem:v44+s5+$0x0], $0xffff  }
0x176: {  	s20 =	simm.s32 $0x8;
	v56 =	vor.u32 v30, v32;
	v44 =	vor.u32 v22, v36;
	v55 =	vld.idx.msk [tilespmem:v58+s5+$0x0], $0xffff;
	[tilespmem:v60+s11+$0x0] =	vst.idx.msk $0xffff, v59  }
.LBB2_12:
0x177: {  	s21 =	sadd.s32 $0x1, s20;
	v1 =	vor.u32 v27, v29;
	v2 =	vor.u32 v27, v32;
	v35 =	vmov v12  }
0x178: {  	p0 =	slt.u32 s20, $0xC;
	[tilespmem:v39+s11+$0x0] =	vst.idx.msk $0xffff, v42;
	v12 =	vadd.s32 s20, v0;
	v43 =	vmovc v19;
	v36 =	vmovc v15;
	v38 =	vmov v29;
	v39 =	vmov v25;
	s22 =	smov.u32 s20;
	s20 =	sadd.s32 $0x4, s20  }
0x179: {  	v42 =	vor.u32 v30, v31;
	v19 =	vand.u32 $0xF, v12;
	v15 =	vadd.s32 s21, v0;
	s21 =	sadd.s32 $0x2, s22;
	[tilespmem:v52+s11+$0x0] =	vst.idx.msk $0xffff, v50;
	v48 =	vld.idx.msk [tilespmem:v48+s5+$0x0], $0xffff  }
0x17a: {  	v50 =	vor.u32 v9, v19;
	v29 =	vand.u32 $0xF, v15;
	v25 =	vadd.s32 s21, v0;
	s21 =	sadd.s32 $0x3, s22;
	v51 =	vld.idx.msk [tilespmem:v51+s5+$0x0], $0xffff;
	[tilespmem:v41+s11+$0x0] =	vst.idx.msk $0xffff, v46  }
0x17b: {  	v41 =	vor.u32 v9, v29;
	v46 =	vand.u32 $0xF, v25;
	v52 =	vadd.s32 s21, v0;
	[tilespmem:v54+s11+$0x0] =	vst.idx.msk $0xffff, v53;
	v45 =	vld.idx.msk [tilespmem:v45+s5+$0x0], $0xffff  }
0x17c: {  	v53 =	vor.u32 v9, v46;
	v54 =	vand.u32 $0xF, v52;
	v56 =	vld.idx.msk [tilespmem:v56+s5+$0x0], $0xffff;
	[tilespmem:v44+s11+$0x0] =	vst.idx.msk $0xffff, v47;
	v47 =	vmov v32  }
0x17d: {  	v32 =	vmov v46;
	v57 =	vor.u32 v9, v54;
	[tilespmem:v33+s11+$0x0] =	vst.idx.msk $0xffff, v55;
	v33 =	vor.u32 v28, v52  }
0x17e: {  	v46 =	vor.u32 v28, v35;
	v44 =	vmovc v21;
	v21 =	vmov v52;
	v55 =	vor.u32 v26, v39;
	v42 =	vld.idx.msk [tilespmem:v42+s5+$0x0], $0xffff  }
0x17f: {  	v58 =	vor.u32 v27, v31;
	v52 =	vor.u32 v18, v36;
	v50 =	vld.idx.msk [tilespmem:v50+s5+$0x0], $0xffff;
	[tilespmem:v34+s11+$0x0] =	vst.idx.msk $0xffff, v48  }
0x180: {  	v34 =	vor.u32 v10, v19;
	v41 =	vld.idx.msk [tilespmem:v41+s5+$0x0], $0xffff;
	[tilespmem:v1+s11+$0x0] =	vst.idx.msk $0xffff, v51;
	v1 =	vor.u32 v26, v44  }
0x181: {  	v48 =	vor.u32 v11, v12;
	v51 =	vor.u32 v10, v29;
	v49 =	vld.idx.msk [tilespmem:v49+s5+$0x0], $0xffff;
	[tilespmem:v37+s11+$0x0] =	vst.idx.msk $0xffff, v45  }
0x182: {  	v37 =	vor.u32 v11, v15;
	v45 =	vld.idx.msk [tilespmem:v53+s5+$0x0], $0xffff;
	v53 =	vor.u32 v30, v43;
	[tilespmem:v2+s11+$0x0] =	vst.idx.msk $0xffff, v56  }
0x183: {  	v2 =	vor.u32 v10, v32;
	[tilespmem:v46+s11+$0x0] =	vst.idx.msk $0xffff, v40;
	v40 =	vor.u32 v26, v35;
	v46 =	vld.idx.msk [tilespmem:v55+s5+$0x0], $0xffff  }
0x184: {  	v55 =	vor.u32 v11, v25;
	v56 =	vld.idx.msk [tilespmem:v57+s5+$0x0], $0xffff;
	v57 =	vor.u32 v18, v39;
	[tilespmem:v58+s11+$0x0] =	vst.idx.msk $0xffff, v42  }
0x185: {  	v42 =	vor.u32 v16, v47;
	[tilespmem:v34+s11+$0x0] =	vst.idx.msk $0xffff, v50;
	v34 =	vor.u32 v10, v54;
	v1 =	vld.idx.msk [tilespmem:v1+s5+$0x0], $0xffff  }
0x186: {  	v50 =	vor.u32 v27, v43;
	v48 =	vld.idx.msk [tilespmem:v48+s5+$0x0], $0xffff;
	[tilespmem:v51+s11+$0x0] =	vst.idx.msk $0xffff, v41;
	v41 =	vor.u32 v11, v21  }
0x187: {  	v51 =	vor.u32 v13, v12;
	v37 =	vld.idx.msk [tilespmem:v37+s5+$0x0], $0xffff;
	[tilespmem:v52+s11+$0x0] =	vst.idx.msk $0xffff, v49;
	v49 =	vor.u32 v16, v38  }
0x188: {  	v58 =	vor.u32 v13, v15;
	v52 =	vor.u32 v14, v19;
	[tilespmem:v2+s11+$0x0] =	vst.idx.msk $0xffff, v45;
	v2 =	vld.idx.msk [tilespmem:v53+s5+$0x0], $0xffff  }
0x189: {  	v45 =	vor.u32 v14, v29;
	v53 =	vld.idx.msk [tilespmem:v55+s5+$0x0], $0xffff;
	[tilespmem:v57+s11+$0x0] =	vst.idx.msk $0xffff, v46;
	v46 =	vmov v31;
	v31 =	vmov v54  }
0x18a: {  	v54 =	vor.u32 v13, v25;
	v55 =	vor.u32 v16, v43;
	[tilespmem:v34+s11+$0x0] =	vst.idx.msk $0xffff, v56;
	v56 =	vld.idx.msk [tilespmem:v42+s5+$0x0], $0xffff  }
0x18b: {  	v59 =	vor.u32 v18, v44;
	v57 =	vor.u32 v18, v35;
	v34 =	vor.u32 v14, v32;
	v41 =	vld.idx.msk [tilespmem:v41+s5+$0x0], $0xffff  }
0x18c: {  	[tilespmem:v51+s11+$0x0] =	vst.idx.msk $0xffff, v48;
	v48 =	vor.u32 v13, v21;
	v42 =	vld.idx.msk [tilespmem:v49+s5+$0x0], $0xffff;
	v49 =	vor.u32 v16, v46  }
0x18d: {  	v47 =	vor.u32 v17, v47;
	v51 =	vld.idx.msk [tilespmem:v52+s5+$0x0], $0xffff;
	[tilespmem:v58+s11+$0x0] =	vst.idx.msk $0xffff, v37;
	v37 =	vor.u32 v14, v31  }
0x18e: {  	v52 =	vor.u32 v20, v19;
	v45 =	vld.idx.msk [tilespmem:v45+s5+$0x0], $0xffff;
	[tilespmem:v50+s11+$0x0] =	vst.idx.msk $0xffff, v2;
	v2 =	vor.u32 v24, v39  }
0x18f: {  	v58 =	vor.u32 v20, v29;
	v50 =	vor.u32 v23, v12;
	[tilespmem:v54+s11+$0x0] =	vst.idx.msk $0xffff, v53;
	v53 =	vld.idx.msk [tilespmem:v40+s5+$0x0], $0xffff  }
0x190: {  	v54 =	vor.u32 v23, v15;
	v60 =	vld.idx.msk [tilespmem:v34+s5+$0x0], $0xffff;
	v34 =	vor.u32 v22, v36;
	[tilespmem:v59+s11+$0x0] =	vst.idx.msk $0xffff, v1  }
0x191: {  	v1 =	vor.u32 v20, v32;
	[tilespmem:v48+s11+$0x0] =	vst.idx.msk $0xffff, v41;
	v41 =	vor.u32 v17, v43;
	v43 =	vld.idx.msk [tilespmem:v49+s5+$0x0], $0xffff  }
0x192: {  	v49 =	vor.u32 v23, v25;
	v59 =	vld.idx.msk [tilespmem:v37+s5+$0x0], $0xffff;
	[tilespmem:v47+s11+$0x0] =	vst.idx.msk $0xffff, v56;
	v47 =	vor.u32 v17, v46  }
0x193: {  	v61 =	vor.u32 v24, v44;
	v56 =	vor.u32 v20, v31;
	[tilespmem:v52+s11+$0x0] =	vst.idx.msk $0xffff, v51;
	v2 =	vld.idx.msk [tilespmem:v2+s5+$0x0], $0xffff  }
0x194: {  	v62 =	vor.u32 v22, v39;
	v40 =	vld.idx.msk [tilespmem:v50+s5+$0x0], $0xffff;
	[tilespmem:v58+s11+$0x0] =	vst.idx.msk $0xffff, v45;
	v58 =	vor.u32 v23, v21  }
.Ltmp4:
0x195: {  	v39 =	vor.u32 v17, v38;
	v45 =	vor.u32 v24, v35;
	v50 =	vld.idx.msk [tilespmem:v54+s5+$0x0], $0xffff;
	[tilespmem:v57+s11+$0x0] =	vst.idx.msk $0xffff, v53;
	(pc) =	sbr.rel @p0 .LBB2_12-.Ltmp4, $4  }
0x196: {  	v48 =	vor.u32 v24, v36;
	v52 =	vor.u32 v28, v15;
	[tilespmem:v1+s11+$0x0] =	vst.idx.msk $0xffff, v60;
	v46 =	vld.idx.msk [tilespmem:v55+s5+$0x0], $0xffff  }
0x197: {  	v37 =	vor.u32 v22, v35;
	v51 =	vor.u32 v30, v29;
	v53 =	vld.idx.msk [tilespmem:v49+s5+$0x0], $0xffff;
	[tilespmem:v47+s11+$0x0] =	vst.idx.msk $0xffff, v43  }
0x198: {  	v44 =	vor.u32 v22, v44;
	v54 =	vor.u32 v28, v25;
	[tilespmem:v56+s11+$0x0] =	vst.idx.msk $0xffff, v59;
	v47 =	vld.idx.msk [tilespmem:v61+s5+$0x0], $0xffff  }
0x199: {  	v49 =	vor.u32 v26, v15;
	v56 =	vor.u32 v30, v32;
	v55 =	vld.idx.msk [tilespmem:v58+s5+$0x0], $0xffff;
	[tilespmem:v62+s11+$0x0] =	vst.idx.msk $0xffff, v2  }
0x19a: {  	_ = 	snop  }
0x19b: {  	v1 =	vor.u32 v30, v31  }
0x19c: {  	v2 =	vor.u32 v28, v12  }
0x19d: {  	v9 =	vor.u32 v30, v19  }
0x19e: {  	[tilespmem:v54+s11+$0x0] =	vst.idx.msk $0xffff, v53  }
0x19f: {  	v10 =	vor.u32 v27, v32;
	v11 =	vld.idx.msk [tilespmem:v56+s5+$0x0], $0xffff;
	[tilespmem:v33+s11+$0x0] =	vst.idx.msk $0xffff, v55  }
0x1a0: {  	[tilespmem:v52+s11+$0x0] =	vst.idx.msk $0xffff, v50;
	v13 =	vor.u32 v26, v25;
	v14 =	vor.u32 v27, v31;
	v1 =	vld.idx.msk [tilespmem:v1+s5+$0x0], $0xffff  }
0x1a1: {  	v20 =	vor.u32 v27, v29;
	v36 =	vor.u32 v26, v21;
	v23 =	vld.idx.msk [tilespmem:v51+s5+$0x0], $0xffff;
	[tilespmem:v2+s11+$0x0] =	vst.idx.msk $0xffff, v40  }
0x1a2: {  	v2 =	vor.u32 v27, v19;
	v9 =	vld.idx.msk [tilespmem:v9+s5+$0x0], $0xffff  }
0x1a3: {  	v38 =	vor.u32 v26, v12  }
0x1a4: {  	[tilespmem:v10+s11+$0x0] =	vst.idx.msk $0xffff, v11  }
0x1a5: {  	v11 =	vor.u32 v18, v25;
	v10 =	vld.idx.msk [tilespmem:v13+s5+$0x0], $0xffff;
	[tilespmem:v14+s11+$0x0] =	vst.idx.msk $0xffff, v1  }
0x1a6: {  	v43 =	vor.u32 v18, v21;
	[tilespmem:v20+s11+$0x0] =	vst.idx.msk $0xffff, v23;
	v1 =	vor.u32 v16, v32;
	v40 =	vld.idx.msk [tilespmem:v36+s5+$0x0], $0xffff  }
0x1a7: {  	v50 =	vor.u32 v18, v15;
	v51 =	vor.u32 v16, v31;
	v23 =	vld.idx.msk [tilespmem:v49+s5+$0x0], $0xffff;
	[tilespmem:v2+s11+$0x0] =	vst.idx.msk $0xffff, v9  }
0x1a8: {  	v2 =	vor.u32 v16, v29;
	v9 =	vor.u32 v18, v12;
	v52 =	vld.idx.msk [tilespmem:v38+s5+$0x0], $0xffff  }
0x1a9: {  	[tilespmem:v39+s11+$0x0] =	vst.idx.msk $0xffff, v42;
	v53 =	vor.u32 v16, v19  }
0x1aa: {  	[tilespmem:v11+s11+$0x0] =	vst.idx.msk $0xffff, v10  }
0x1ab: {  	v10 =	vor.u32 v17, v32;
	v1 =	vld.idx.msk [tilespmem:v1+s5+$0x0], $0xffff;
	[tilespmem:v43+s11+$0x0] =	vst.idx.msk $0xffff, v40  }
0x1ac: {  	v54 =	vor.u32 v17, v31;
	[tilespmem:v50+s11+$0x0] =	vst.idx.msk $0xffff, v23;
	v11 =	vor.u32 v24, v25;
	v13 =	vld.idx.msk [tilespmem:v51+s5+$0x0], $0xffff  }
0x1ad: {  	v55 =	vor.u32 v24, v21;
	v2 =	vld.idx.msk [tilespmem:v2+s5+$0x0], $0xffff;
	[tilespmem:v9+s11+$0x0] =	vst.idx.msk $0xffff, v52;
	v9 =	vor.u32 v17, v29  }
0x1ae: {  	v57 =	vor.u32 v24, v15;
	[tilespmem:v41+s11+$0x0] =	vst.idx.msk $0xffff, v46;
	v56 =	vor.u32 v17, v19;
	v16 =	vld.idx.msk [tilespmem:v53+s5+$0x0], $0xffff  }
0x1af: {  	v59 =	vor.u32 v24, v12;
	v58 =	vld.idx.msk [tilespmem:v48+s5+$0x0], $0xffff;
	[tilespmem:v44+s11+$0x0] =	vst.idx.msk $0xffff, v47  }
0x1b0: {  	v60 =	vld.idx.msk [tilespmem:v45+s5+$0x0], $0xffff;
	[tilespmem:v10+s11+$0x0] =	vst.idx.msk $0xffff, v1  }
0x1b1: {  	v10 =	vor.u32 v22, v25;
	v1 =	vld.idx.msk [tilespmem:v11+s5+$0x0], $0xffff;
	[tilespmem:v54+s11+$0x0] =	vst.idx.msk $0xffff, v13  }
0x1b2: {  	v61 =	vor.u32 v22, v21;
	[tilespmem:v9+s11+$0x0] =	vst.idx.msk $0xffff, v2;
	v11 =	vld.idx.msk [tilespmem:v55+s5+$0x0], $0xffff  }
0x1b3: {  	s19 =	sadd.s32 $0x1, s19;
	v2 =	vor.u32 v22, v15;
	v9 =	vld.idx.msk [tilespmem:v57+s5+$0x0], $0xffff;
	[tilespmem:v56+s11+$0x0] =	vst.idx.msk $0xffff, v16  }
0x1b4: {  	v62 =	vor.u32 v22, v12;
	p0 =	sne.s32 s19, $0x18;
	[tilespmem:v34+s11+$0x0] =	vst.idx.msk $0xffff, v58;
	v63 =	vld.idx.msk [tilespmem:v59+s5+$0x0], $0xffff  }
.Ltmp5:
0x1b5: {  	[tilespmem:v37+s11+$0x0] =	vst.idx.msk $0xffff, v60;
	(pc) =	sbr.rel @p0 .LBB2_11-.Ltmp5, $4  }
0x1b6: {  	[tilespmem:v10+s11+$0x0] =	vst.idx.msk $0xffff, v1  }
0x1b7: {  	[tilespmem:v61+s11+$0x0] =	vst.idx.msk $0xffff, v11  }
0x1b8: {  	[tilespmem:v2+s11+$0x0] =	vst.idx.msk $0xffff, v9  }
0x1b9: {  	[tilespmem:v62+s11+$0x0] =	vst.idx.msk $0xffff, v63  }
0x1ba: {  	s16 =	sadd.s32 $0x1, s16  }
0x1bb: {  	p0 =	sne.s32 s16, $0x21  }
.Ltmp6:
0x1bc: {  	s17 =	sadd.s32 s4, s17;
	(pc) =	sbr.rel @p0 .LBB2_6-.Ltmp6, $4  }
0x1bd: {  	s17 =	sshll.u32 s17, $0x4  }
0x1be: {  	s17 =	sand.u32 $0x1FFFF800, s17  }
0x1bf: {  	s17 =	sadd.s32 s3, s17  }
0x1c0: {  	[hbm4b:s17+s5] =	stream.linear.scatter [tilespmem:s11], [sflag:$0x1], $0xC000, $0x38;
	[tilespmem:$0x1E800] =	vst v63  }
0x1c1: {  	s15 =	sadd.s32 $0x1, s15  }
0x1c2: {  	_ =	swait.ge [sflag:s13], $0xC000;
	p0 =	sne.s32 s15, s8  }
.Ltmp7:
0x1c3: {  	[sflag:s13] =	ssyncset.done $0x0;
	(pc) =	sbr.rel @p0 .LBB2_1-.Ltmp7, $4  }
0x1c4: {  	[sflag:s13] =	ssyncadd.s32 $0xFFFF4000  }
0x1c5: {  	_ =	swait.ge [sflag:s14], $0xC000  }
0x1c6: {  	[sflag:s14] =	ssyncset.done $0x0  }
0x1c7: {  	[sflag:s14] =	ssyncadd.s32 $0xFFFF4000  }
0x1c8: {  	_ =	sfence.sel $0x180000  }
0x1c9: {  	[bflag:$0x0] =	sbarrier.arrive $0xFFFF  }
0x1ca: {  	p0 =	sne.s32 s0, $0x0;
	_ =	strace $0x90000047  }
0x1cb: {  	s0 =	sadd.s32 @!p0 $0x100000, s1;
	[bflag:$0x2] =	sbarrier.arrive $0xFFFF  }
0x1cc: {  	[sflag:s0] =	ssyncadd.tile.s32 @!p0 $0x1;
	_ =	shalt  }
.Lfunc_end2:
_tile_overlayer_lowered:
.L_overlay_start_2:
0x1cd: {  	(tag) =	ssettag $0x2  }
0x1ce: {  	s0 =	rddreg [dreg:$0x0];
	s2 =	stileid.u32  }
0x1cf: {  	s1 =	rddreg [dreg:$0x1];
	p0 =	sne.s32 s2, $0x0  }
0x1d0: {  	s3 =	rddreg [dreg:$0x2];
	[bflag:$0x3] =	sbarrier.arrive $0xFFFF;
	s2 =	simm.s32 @!p0 $0x1C03  }
0x1d1: {  	[timem:s3], [sflag:s2] =	dma.local @!p0 [hbm:s0], s1  }
0x1d2: {  	s0 =	simm.s32 @!p0 $0x3  }
0x1d3: {  	_ =	swait.ge @!p0 [sflag:s0], s1  }
0x1d4: {  	s1 =	ssub.s32 @!p0 $0x0, s1;
	[sflag:s0] =	ssyncset.done @!p0 $0x0  }
0x1d5: {  	[sflag:s0] =	ssyncadd.s32 @!p0 s1  }
0x1d6: {  	[bflag:$0x3] =	sbarrier.arrive $0xFFFF  }
0x1d7: {  	_ =	shalt  }

// kernel: sparse-core-data-format-call.cloned.1.call-start
scs
called_computation_lowered:
.L_overlay_start_0:
0x0: {  	s2 =	sld [smem:$0x3FD9]  }
0x1: {  	s3 =	sld [smem:$0x3FFE];
	_ =	sdelay $0x1  }
0x2: {  	s1 =	srdreg.scid  }
0x3: {  	s0 =	sand.u32 $0x1, s1  }
0x4: {  	s18 =	sshll.u32 s0, $0xA;
	s2 =	sadd.s32 s3, s2  }
0x5: {  	s2 =	sadd.s32 s2, s18  }
0x6: {  	[smem:$0x3FC6] =	sst s2  }
0x7: {  	_ = 	snop  }
0x8: {  	s2 =	sld [smem:$0x3FD0];
	(tm) =	ssettm $0x1  }
0x9: {  	s19 =	sld [smem:$0x3FFB];
	_ =	sdelay $0x3  }
0xa: {  	_ =	strace s19  }
0xb: {  	s3 =	sld [smem:$0x3FFC];
	_ =	sdelay $0x3  }
0xc: {  	_ =	strace s3  }
0xd: {  	s3 =	sld [smem:$0x3FFD];
	_ =	sdelay $0x3  }
0xe: {  	_ =	strace s3  }
0xf: {  	_ =	strace $0x8FFFFFFF  }
0x10: {  	s20 =	sld [smem:$0x3FDB];
	_ =	sdelay $0x1  }
0x11: {  	s4 =	simm.s32 $_scs_section_size  }
0x12: {  	s5 =	simm.s32 $_size__tile_overlayer_lowered;
	s6 =	simm.s32 $_tile_overlayer_lowered  }
0x13: {  	s23 =	simm.s32 $0x1BFF;
	s22 =	sshll.u32 s6, $0x1;
	s3 =	sadd.s32 s4, s20  }
0x14: {  	s7 =	simm.s32 $0x0;
	s21 =	sshll.u32 s5, $0x1;
	s5 =	sadd.s32 s22, s3  }
0x15: {  	[timem:s7], [sflag:s23] =	dma.local [hbm:s5], s21  }
0x16: {  	_ =	swait.ge [sflag:s23], s21  }
0x17: {  	s4 =	ssub.s32 $0x0, s21;
	[sflag:s23] =	ssyncset.done $0x0  }
0x18: {  	[sflag:s23] =	ssyncadd.s32 s4;
	_ =	sdelay $0x1  }
0x19: {  	s24 =	simm.s32 $0x1B8B  }
0x1a: {  	_ =	swait.ge [sflag:s24], $0x1  }
0x1b: {  	[sflag:s24] =	ssyncset.done $0x0  }
0x1c: {  	s26 =	simm.s32 $0x1B8E;
	s25 =	sld [smem:$0x3FFE];
	[sflag:s24] =	ssyncadd.s32 $0xFFFFFFFF  }
0x1d: {  	s27 =	simm.s32 $execute0_lowered;
	[smem:$0x3FD2] =	sst s26  }
0x1e: {  	s5 =	sshll.u32 s27, $0x1;
	_ =	strace $0x80000049;
	[dreg:$0x1] =	wrdreg $0xFFFFFFFF  }
0x1f: {  	s28 =	simm.s32 $_size_execute0_lowered;
	s3 =	sadd.s32 s3, s5;
	[dreg:$0x0] =	wrdreg $0x0  }
0x20: {  	s5 =	sshll.u32 s28, $0x1;
	[dreg:$0x2] =	wrdreg s3  }
0x21: {  	[dreg:$0x3] =	wrdreg s5  }
0x22: {  	[dreg:$0x4] =	wrdreg $0xC0  }
0x23: {  	_ =	task [dreg:s7], $0x5FFFF  }
0x24: {  	[dreg:$0x1] =	wrdreg $0xFFFFFFFF  }
0x25: {  	[dreg:$0x0] =	wrdreg $0x60  }
0x26: {  	[dreg:$0x2] =	wrdreg s25  }
0x27: {  	[dreg:$0x3] =	wrdreg s2  }
0x28: {  	[dreg:$0x4] =	wrdreg $0x9  }
0x29: {  	_ =	task.clear_ibuf [dreg:s7], $0x5FFFF;
	_ =	strace $0x90000049  }
0x2a: {  	s29 =	simm.s32 $0x9;
	_ =	strace $0x8000004B  }
0x2b: {  	_ =	swait.ge [sflag:s29], $0x1  }
0x2c: {  	[sflag:s29] =	ssyncadd.s32 $0xFFFFFFFF  }
0x2d: {  	_ =	strace $0x9000004B  }
0x2e: {  	_ =	sfence  }
0x2f: {  	s30 =	sld [smem:$0x0];
	_ =	sdelay $0x2  }
0x30: {  	s31 =	sshll.u32 s1, $0xD;
	s1 =	sshrl.u32 s1, $0x2  }
0x31: {  	s3 =	sand.u32 $0x4000, s31;
	s1 =	sadd.s32 s1, s30  }
0x32: {  	s0 =	sor.u32 s3, s0;
	s1 =	sshll.u32 s1, $0x11  }
0x33: {  	s0 =	sor.u32 s1, s0  }
0x34: {  	s0 =	sadd.s32 $0x8F2B, s0  }
0x35: {  	[sflag:s0] =	ssyncadd.remote.s32 $0x1  }
0x36: {  	_ =	sfence.sel $0xFFFF  }
0x37: {  	[dreg:$0x0] =	wrdreg $0xFFFFFFFF;
	(pc) =	sbr.abs _section_cstart, $3  }
0x38: {  	[dreg:$0x1] =	wrdreg $0xFFFFFFFF  }
0x39: {  	_ =	task.clear_ibuf [dreg:s7], $0x2FFFF;
	_ =	strace $0x9FFFFFFF  }
0x3a: {  	(tm) =	ssettm $0x7FFFFFFF  }
0x3b: {  	_ =	shalt  }
tec
execute0_lowered:
.L_overlay_start_1:
0x0: {  	(tag) =	ssettag $0x1  }
0x1: {  	s0 =	srdreg.scid  }
0x2: {  	s1 =	sshll.u32 s0, $0x4  }
0x3: {  	s0 =	stileid.u32;
	s1 =	sand.u32 $0x10, s1  }
0x4: {  	s1 =	sor.u32 s0, s1  }
0x5: {  	s6 =	rddreg [dreg:$0x0];
	s4 =	simm.s32 $0x1;
	s2 =	sshll.u32 s1, $0x7  }
0x6: {  	s7 =	simm.s32 $0x2;
	s8 =	simm.s32 $0x0;
	s1 =	ssub.s32 $0x1000, s2  }
0x7: {  	s9 =	simm.s32 $0x0;
	s13 =	simm.s32 $0x0;
	s3 =	sand.u32 $0xF80, s1  }
0x8: {  	s14 =	simm.s32 $0x0;
	s5 =	sshrl.u32 s1, $0xC;
	p0 =	sne.s32 s3, $0x0  }
.Ltmp0:
0x9: {  	s1 =	rddreg [dreg:$0x2];
	s4 =	simm.s32 @!p0 $0x0;
	(pc) =	sbr.rel .LBB1_1-.Ltmp0, $4  }
0xa: {  	s10 =	simm.s32 $0x0;
	s3 =	rddreg [dreg:$0x1];
	s5 =	sadd.s32 s4, s5  }
0xb: {  	_ =	strace $0x8000004A;
	s4 =	simm.s32 $0x1;
	s5 =	smul.u32 $0xC9, s5  }
0xc: {  	s12 =	simm.s32 $0x0;
	s6 =	sadd.s32 $0x800, s6;
	[sflag:s4] =	ssyncpa.u1 $0x0  }
0xd: {  	s11 =	smov.u32 s2;
	[sflag:s7] =	ssyncpa.u1 $0x0;
	s7 =	sadd.s32 $0x1, s5  }
.LBB1_4:
0xe: {  	_ =	sdelay $0x3  }
0xf: {  	[tilespmem:v0+s16+$0xFFFFFFD0 ss:$0x1] =	vst.idx.msk $0xffff, v6  }
0x10: {  	v56 =	vld.idx.msk [tilespmem:v1+s17+$0x0 ss:$0x1], $0xffff;
	[tilespmem:v0+s16+$0xFFFFFFE0 ss:$0x1] =	vst.idx.msk $0xffff, v4  }
0x11: {  	v57 =	vld.idx.msk [tilespmem:v1+s17+$0xFFFFFF90 ss:$0x1], $0xffff;
	[tilespmem:v0+s16+$0xFFFFFFF0 ss:$0x1] =	vst.idx.msk $0xffff, v2  }
0x12: {  	v58 =	vld.idx.msk [tilespmem:v1+s17+$0xFFFFFFA0 ss:$0x1], $0xffff;
	[tilespmem:v0+s16+$0x0 ss:$0x1] =	vst.idx.msk $0xffff, v3  }
0x13: {  	v59 =	vld.idx.msk [tilespmem:v1+s17+$0xFFFFFFB0 ss:$0x1], $0xffff;
	[tilespmem:v0+s16+$0x10 ss:$0x1] =	vst.idx.msk $0xffff, v5  }
0x14: {  	v60 =	vld.idx.msk [tilespmem:v1+s17+$0xFFFFFFC0 ss:$0x1], $0xffff;
	[tilespmem:v0+s16+$0x20 ss:$0x1] =	vst.idx.msk $0xffff, v7  }
0x15: {  	v61 =	vld.idx.msk [tilespmem:v1+s17+$0xFFFFFFD0 ss:$0x1], $0xffff;
	[tilespmem:v0+s17+$0x30 ss:$0x1] =	vst.idx.msk $0xffff, v56  }
0x16: {  	v62 =	vld.idx.msk [tilespmem:v1+s17+$0xFFFFFFE0 ss:$0x1], $0xffff;
	[tilespmem:v0+s17+$0xFFFFFFC0 ss:$0x1] =	vst.idx.msk $0xffff, v57  }
0x17: {  	v63 =	vld.idx.msk [tilespmem:v1+s17+$0xFFFFFFF0 ss:$0x1], $0xffff;
	[tilespmem:v0+s17+$0xFFFFFFD0 ss:$0x1] =	vst.idx.msk $0xffff, v58  }
0x18: {  	[tilespmem:v0+s17+$0xFFFFFFE0 ss:$0x1] =	vst.idx.msk $0xffff, v59  }
0x19: {  	s14 =	sshll.u32 s14, $0x4;
	[tilespmem:v0+s17+$0xFFFFFFF0 ss:$0x1] =	vst.idx.msk $0xffff, v60  }
0x1a: {  	s14 =	sand.u32 $0xFFF0, s14;
	[tilespmem:v0+s17+$0x0 ss:$0x1] =	vst.idx.msk $0xffff, v61  }
0x1b: {  	s13 =	sshll.u32 s13, $0x10;
	s14 =	sadd.s32 s3, s14;
	[tilespmem:v0+s17+$0x10 ss:$0x1] =	vst.idx.msk $0xffff, v62  }
0x1c: {  	s13 =	sadd.s32 s13, s14;
	[tilespmem:v0+s17+$0x20 ss:$0x1] =	vst.idx.msk $0xffff, v63  }
0x1d: {  	[hbm4b:s13+s8] =	stream.linear.scatter [tilespmem:s15], [sflag:$0x2], $0x4000, $0x38;
	[tilespmem:$0x10000] =	vst v63  }
.LBB1_5:
0x1e: {  	s15 =	sadd.s32 $0x1, s10  }
0x1f: {  	s13 =	sadd.s32 $0x1000, s11;
	s17 =	smov.u32 s11;
	p1 =	sgt.s32 s15, $0xC8  }
0x20: {  	s17 =	smov.u32 @p1 s13  }
0x21: {  	s15 =	simm.s32 @p1 $0x0;
	p1 =	sgt.s32 s17, $0xFFF  }
0x22: {  	s17 =	smov.u32 @p1 s2;
	p1 =	sne.s32 s12, s7  }
.Ltmp1:
0x23: {  	p0 =	slt.u32 s12, $0x2;
	(pc) =	sbr.rel @!p1 .LBB1_6-.Ltmp1, $4  }
0x24: {  	s16 =	simm.s32 @!p0 $0x2  }
0x25: {  	s14 =	smov.u32 s11;
	s9 =	sadd.s32 $0x4000, s9;
	_ =	swait.ge @!p0 [sflag:s16], $0x4000  }
0x26: {  	s13 =	smov.u32 s10;
	[sflag:s16] =	ssyncset.done @!p0 $0x0;
	s10 =	smov.u32 s15  }
0x27: {  	s12 =	sadd.s32 $0x1, s12;
	[sflag:s16] =	ssyncadd.s32 @!p0 $0xFFFFC000;
	s11 =	smov.u32 s17  }
.LBB1_1:
0x28: {  	p0 =	sge.u32 s12, s5  }
0x29: {  	s15 =	sand.u32 @!p0 $0x1FFFFFF, s10  }
0x2a: {  	s16 =	smulhi.u32 @!p0 $0x2762763, s15;
	_ =	sdelay $0x1  }
0x2b: {  	s16 =	sshrl.u32 @!p0 s16, $0x1  }
0x2c: {  	s16 =	smul.u32 @!p0 $0xD0, s16  }
0x2d: {  	s17 =	sxor.u32 @!p0 $0xFFFFFFFF, s12;
	s18 =	smul.u32 @!p0 $0xD00, s11  }
0x2e: {  	s31 =	sadd.s32 $0xFFFFFFFF, s12;
	s17 =	sshll.u32 @!p0 s17, $0xE;
	s15 =	ssub.s32 @!p0 s15, s16  }
0x2f: {  	s16 =	sand.u32 @!p0 $0x4000, s17;
	s17 =	sadd.s32 @!p0 s6, s18;
	s15 =	sshll.u32 @!p0 s15, $0x4  }
0x30: {  	s18 =	simm.s32 @!p0 $0x6800;
	s15 =	sadd.s32 @!p0 s15, s17;
	s17 =	simm.s32 @!p0 $0x80  }
0x31: {  	[tilespmem:s16], [sflag:$0x1] =	stream.strided.gather @!p0 [hbm4b:s15+s17], $0x4000, s18, s17, $0x38;
	[tilespmem:$0x10000] =	vst v63  }
0x32: {  	p0 =	sge.u32 s31, s5  }
.Ltmp2:
0x33: {  	_ = 	snop;
	(pc) =	sbr.rel @p0 .LBB1_5-.Ltmp2, $1  }
0x34: {  	_ =	sdelay $0x3  }
0x35: {  	s15 =	sand.u32 $0x4000, s9  }
0x36: {  	s16 =	sor.u32 $0x70, s15  }
0x37: {  	v1 =	vmov s16;
	_ =	sdelay $0x1  }
0x38: {  	_ =	swait.ge [sflag:s4], $0x4000  }
0x39: {  	[sflag:s4] =	ssyncset.done $0x0  }
0x3a: {  	[sflag:s4] =	ssyncadd.s32 $0xFFFFC000;
	s16 =	simm.s32 $0x0  }
0x3b: {  	s15 =	sor.u32 $0x8040, s15;
	v7 =	vld.idx.msk [tilespmem:v1+s16+$0x0 ss:$0x1], $0xffff  }
0x3c: {  	v0 =	vmov s15;
	v8 =	vld.idx.msk [tilespmem:v1+s16+$0xFFFFFF90 ss:$0x1], $0xffff  }
0x3d: {  	v6 =	vld.idx.msk [tilespmem:v1+s16+$0xFFFFFFA0 ss:$0x1], $0xffff  }
0x3e: {  	v4 =	vld.idx.msk [tilespmem:v1+s16+$0xFFFFFFB0 ss:$0x1], $0xffff  }
0x3f: {  	v2 =	vld.idx.msk [tilespmem:v1+s16+$0xFFFFFFC0 ss:$0x1], $0xffff  }
0x40: {  	s31 =	sshll.u32 s12, $0xE;
	v3 =	vld.idx.msk [tilespmem:v1+s16+$0xFFFFFFD0 ss:$0x1], $0xffff  }
0x41: {  	s15 =	sand.u32 $0x4000, s31;
	v5 =	vld.idx.msk [tilespmem:v1+s16+$0xFFFFFFE0 ss:$0x1], $0xffff;
	[tilespmem:v0+s16+$0x30 ss:$0x1] =	vst.idx.msk $0xffff, v7  }
0x42: {  	s17 =	simm.s32 $0x80;
	s18 =	simm.s32 $0x400;
	s15 =	sor.u32 $0x8000, s15;
	[tilespmem:v0+s16+$0xFFFFFFC0 ss:$0x1] =	vst.idx.msk $0xffff, v8;
	v7 =	vld.idx.msk [tilespmem:v1+s16+$0xFFFFFFF0 ss:$0x1], $0xffff  }
.LBB1_3:
0x43: {  	p0 =	sne.s32 s18, $0xFE00;
	v8 =	vld.idx.msk [tilespmem:v1+s17+$0x0 ss:$0x1], $0xffff;
	[tilespmem:v0+s16+$0xFFFFFFD0 ss:$0x1] =	vst.idx.msk $0xffff, v6  }
0x44: {  	v9 =	vld.idx.msk [tilespmem:v1+s17+$0xFFFFFF90 ss:$0x1], $0xffff;
	[tilespmem:v0+s16+$0xFFFFFFE0 ss:$0x1] =	vst.idx.msk $0xffff, v4  }
0x45: {  	v6 =	vld.idx.msk [tilespmem:v1+s17+$0xFFFFFFA0 ss:$0x1], $0xffff;
	[tilespmem:v0+s16+$0xFFFFFFF0 ss:$0x1] =	vst.idx.msk $0xffff, v2  }
.Ltmp3:
0x46: {  	v4 =	vld.idx.msk [tilespmem:v1+s17+$0xFFFFFFB0 ss:$0x1], $0xffff;
	[tilespmem:v0+s16+$0x0 ss:$0x1] =	vst.idx.msk $0xffff, v3;
	(pc) =	sbr.rel @p0 .LBB1_3-.Ltmp3, $4  }
0x47: {  	v2 =	vld.idx.msk [tilespmem:v1+s17+$0xFFFFFFC0 ss:$0x1], $0xffff;
	[tilespmem:v0+s16+$0x10 ss:$0x1] =	vst.idx.msk $0xffff, v5  }
0x48: {  	v3 =	vld.idx.msk [tilespmem:v1+s17+$0xFFFFFFD0 ss:$0x1], $0xffff;
	[tilespmem:v0+s16+$0x20 ss:$0x1] =	vst.idx.msk $0xffff, v7;
	s16 =	smov.u32 s17  }
0x49: {  	v5 =	vld.idx.msk [tilespmem:v1+s16+$0xFFFFFFE0 ss:$0x1], $0xffff;
	[tilespmem:v0+s16+$0x30 ss:$0x1] =	vst.idx.msk $0xffff, v8  }
0x4a: {  	s17 =	sshra.s32 s18, $0x2;
	s18 =	sadd.s32 $0x200, s18;
	[tilespmem:v0+s16+$0xFFFFFFC0 ss:$0x1] =	vst.idx.msk $0xffff, v9;
	v7 =	vld.idx.msk [tilespmem:v1+s16+$0xFFFFFFF0 ss:$0x1], $0xffff  }
.Ltmp4:
0x4b: {  	_ = 	snop;
	(pc) =	sbr.rel .LBB1_4-.Ltmp4, $1  }
0x4c: {  	_ =	sdelay $0x3  }
.LBB1_6:
0x4d: {  	_ =	sfence.sel $0x180000  }
0x4e: {  	s2 =	simm.s32 $0x1;
	[bflag:$0x0] =	sbarrier.arrive $0xFFFF  }
0x4f: {  	s31 =	simm.s32 $0x2;
	[sflag:s2] =	ssyncpa.u1 $0x1  }
0x50: {  	[sflag:s31] =	ssyncpa.u1 $0x1  }
0x51: {  	p0 =	sne.s32 s0, $0x0;
	_ =	strace $0x9000004A  }
0x52: {  	s0 =	sadd.s32 @!p0 $0x100000, s1;
	[bflag:$0x2] =	sbarrier.arrive $0xFFFF  }
0x53: {  	[sflag:s0] =	ssyncadd.tile.s32 @!p0 $0x1;
	_ =	shalt  }
.Lfunc_end1:
_tile_overlayer_lowered:
.L_overlay_start_2:
0x54: {  	(tag) =	ssettag $0x2  }
0x55: {  	s0 =	rddreg [dreg:$0x0];
	s2 =	stileid.u32  }
0x56: {  	s1 =	rddreg [dreg:$0x1];
	p0 =	sne.s32 s2, $0x0  }
0x57: {  	s3 =	rddreg [dreg:$0x2];
	[bflag:$0x3] =	sbarrier.arrive $0xFFFF;
	s2 =	simm.s32 @!p0 $0x1C01  }
0x58: {  	[timem:s3], [sflag:s2] =	dma.local @!p0 [hbm:s0], s1  }
0x59: {  	s0 =	simm.s32 @!p0 $0x1  }
0x5a: {  	_ =	swait.ge @!p0 [sflag:s0], s1  }
0x5b: {  	s1 =	ssub.s32 @!p0 $0x0, s1;
	[sflag:s0] =	ssyncset.done @!p0 $0x0  }
0x5c: {  	[sflag:s0] =	ssyncadd.s32 @!p0 s1  }
0x5d: {  	[bflag:$0x3] =	sbarrier.arrive $0xFFFF  }
0x5e: {  	_ =	shalt  }

</sc_bundles>
